<compile_context>
chip_gen: v7x
topology: tpu7x:2x2x1
jax: 0.10.2.dev20260603
libtpu: 0.0.44.dev20260713+nightly
codegen_flags: <defaults>
</compile_context>

<pallas_src>
import functools

import jax
import jax.numpy as jnp
from jax import lax
from jax.experimental import pallas as pl
from jax.experimental.pallas import tpu as pltpu
from jax.experimental.pallas import tpu_sc as plsc

_NC = 2
_NS = 16
_NBUF = 3
_CHUNK = 80


def _sc_segment_partials(h, dst_chunks, n_nodes):
    e, d = h.shape
    nw = _NC * _NS
    ept = e // nw
    nch = ept // _CHUNK
    nacc = n_nodes // _CHUNK
    acc_iters = -(-nacc // _NS)
    mesh = plsc.VectorSubcoreMesh(core_axis_name="core", subcore_axis_name="subcore")

    @functools.partial(
        pl.kernel,
        mesh=mesh,
        out_type=jax.ShapeDtypeStruct((_NC * n_nodes, d), jnp.float32),
        scratch_types=[
            pltpu.VMEM((nch, _CHUNK), jnp.int32),
            pltpu.VMEM((_NBUF, _CHUNK, d), jnp.float32),
            pltpu.VMEM_SHARED((n_nodes, d), jnp.float32),
            pltpu.SemaphoreType.DMA,
            pltpu.SemaphoreType.DMA,
            pltpu.SemaphoreType.DMA,
            pltpu.SemaphoreType.DMA,
            pltpu.SemaphoreType.DMA,
            pltpu.SemaphoreType.DMA,
            pltpu.SemaphoreType.DMA,
            pltpu.SemaphoreType.DMA,
        ],
    )
    def seg(h_hbm, dst_hbm, out_hbm, idx_v, rows_v, acc_sh,
            g0, g1, g2, s0, s1, s2, zsem, isem):
        c = lax.axis_index("core")
        s = lax.axis_index("subcore")
        wid = c * _NS + s
        gsem = (g0, g1, g2)
        ssem = (s0, s1, s2)
        zero_v = rows_v.at[_NBUF - 1]
        eb = wid * ept

        def gather(j, r, sem):
            return pltpu.make_async_copy(
                h_hbm.at[pl.ds(eb + j * _CHUNK, _CHUNK)], rows_v.at[r], sem)

        def scatter(j, r, sem):
            return pltpu.make_async_copy(
                rows_v.at[r], acc_sh.at[idx_v.at[j]], sem)

        def zcopy(k):
            return pltpu.make_async_copy(
                zero_v, acc_sh.at[pl.ds(k * _CHUNK, _CHUNK)], zsem)

        pltpu.make_async_copy(dst_hbm.at[wid], idx_v, isem).start()

        def zrow(i, carry):
            def zlane(k, carry2):
                rows_v[_NBUF - 1, i, pl.ds(k * 16, 16)] = (
                    jnp.zeros((16,), jnp.float32))
                return carry2
            return lax.fori_loop(0, d // 16, zlane, carry)
        lax.fori_loop(0, _CHUNK, zrow, 0)
        for r in range(acc_iters):
            k = r * _NS + s

            @pl.when(k < nacc)
            def _():
                zcopy(k).start()
        for r in range(_NBUF - 1):
            gather(r, r, gsem[r]).start()
        for r in range(acc_iters):
            k = r * _NS + s

            @pl.when(k < nacc)
            def _():
                zcopy(k).wait()
        gather(_NBUF - 1, _NBUF - 1, gsem[_NBUF - 1]).start()
        pltpu.make_async_copy(dst_hbm.at[wid], idx_v, isem).wait()
        plsc.subcore_barrier()

        def body(jj, carry):
            j0 = _NBUF * jj
            for r in range(_NBUF):
                gather(j0 + r, r, gsem[r]).wait()
                scatter(j0 + r, r, ssem[r]).start(add=True)
            for r in range(_NBUF):
                jn = j0 + _NBUF + r
                scatter(j0 + r, r, ssem[r]).wait()

                @pl.when(jn < nch)
                def _():
                    gather(jn, r, gsem[r]).start()
            return carry
        lax.fori_loop(0, nch // _NBUF, body, 0)
        for j in range(nch - nch % _NBUF, nch):
            r = j % _NBUF
            gather(j, r, gsem[r]).wait()
            pltpu.sync_copy(rows_v.at[r], acc_sh.at[idx_v.at[j]], add=True)
        plsc.subcore_barrier()

        for r in range(acc_iters):
            k = r * _NS + s

            @pl.when(k < nacc)
            def _():
                pltpu.make_async_copy(
                    acc_sh.at[pl.ds(k * _CHUNK, _CHUNK)],
                    out_hbm.at[pl.ds(c * n_nodes + k * _CHUNK, _CHUNK)],
                    zsem).start()
        for r in range(acc_iters):
            k = r * _NS + s

            @pl.when(k < nacc)
            def _():
                pltpu.make_async_copy(
                    acc_sh.at[pl.ds(k * _CHUNK, _CHUNK)],
                    out_hbm.at[pl.ds(c * n_nodes + k * _CHUNK, _CHUNK)],
                    zsem).wait()

    return seg(h, dst_chunks)


_DNUMS = (((1, ), (1,)), ((), ()))


def _tc_xw_body(x_ref, wx_ref, b_ref, o_ref):
    o_ref[...] = lax.dot_general(
        x_ref[...], wx_ref[...], _DNUMS,
        preferred_element_type=jnp.float32) + b_ref[...]


def _tc_xw(x, W, b2):
    n, d = x.shape
    blk = 2000
    return pl.pallas_call(
        _tc_xw_body,
        grid=(n // blk,),
        in_specs=[
            pl.BlockSpec((blk, d), lambda i: (i, 0)),
            pl.BlockSpec((d, d), lambda i: (0, 0)),
            pl.BlockSpec((1, d), lambda i: (0, 0)),
        ],
        out_specs=pl.BlockSpec((blk, d), lambda i: (i, 0)),
        out_shape=jax.ShapeDtypeStruct((n, d), jnp.float32),
    )(x, W, b2)


def _tc_out_body(xw_ref, p0_ref, p1_ref, wh_ref, o_ref):
    acc = lax.dot_general(p0_ref[...] + p1_ref[...], wh_ref[...], _DNUMS,
                          preferred_element_type=jnp.float32)
    o_ref[...] = jnp.maximum(acc + xw_ref[...], 0.0)


def _tc_out(xw, parts, W):
    n, d = xw.shape
    blk = 1000
    nblk = n // blk
    return pl.pallas_call(
        _tc_out_body,
        grid=(nblk,),
        in_specs=[
            pl.BlockSpec((blk, d), lambda i: (i, 0)),
            pl.BlockSpec((blk, d), lambda i: (i, 0)),
            pl.BlockSpec((blk, d), lambda i: (i + nblk, 0)),
            pl.BlockSpec((d, d), lambda i: (0, 1)),
        ],
        out_specs=pl.BlockSpec((blk, d), lambda i: (i, 0)),
        out_shape=jax.ShapeDtypeStruct((n, d), jnp.float32),
    )(xw, parts, parts, W)


def kernel(x, h, edge_index, W, b):
    n, d = x.shape
    e = h.shape[0]
    nw = _NC * _NS
    dst = edge_index[1].astype(jnp.int32).reshape(nw, e // (nw * _CHUNK), _CHUNK)
    parts = _sc_segment_partials(h, dst, n)
    xw = _tc_xw(x, W, b.reshape(1, d))
    return _tc_out(xw, parts, W)

# --- scband reference (transcript-rebuilt; emitter-appended) ---
"""Pipeline reference for scband-edge-to-node-embedding-7387343749430 (READ-ONLY COPY).

The authoritative reference and input builder live on the scoring server;
editing this copy changes nothing except your own understanding.
"""

import jax, jax.numpy as jnp
import numpy as np

EMBED = 128
NUM_NODE_FEAT = 128
N_NODES = 10000
N_EDGES = 320000

def setup_inputs(seed: int = 0) -> dict:
    key = jax.random.key(seed)
    k1, k2, k3, k4, k5 = jax.random.split(key, 5)
    x = jax.random.normal(k1, (N_NODES, NUM_NODE_FEAT), dtype=jnp.float32)
    h = jax.random.normal(k2, (N_EDGES, EMBED), dtype=jnp.float32)
    edge_index = jax.random.randint(k3, (2, N_EDGES), 0, N_NODES, dtype=jnp.int64)
    fan_in = NUM_NODE_FEAT + EMBED
    bound = 1.0 / np.sqrt(fan_in)
    W = jax.random.uniform(k4, (EMBED, fan_in), dtype=jnp.float32, minval=-bound, maxval=bound)
    b = jax.random.uniform(k5, (EMBED,), dtype=jnp.float32, minval=-bound, maxval=bound)
    return {"x": x, "h": h, "edge_index": edge_index, "W": W, "b": b}

def reference(x, h, edge_index, W, b):
    # aggregate edge embeddings onto destination nodes (aggr='add')
    dst = edge_index[1]
    h_aggr = jax.ops.segment_sum(h, dst, num_segments=x.shape[0])
    # concat node features with aggregated edge embeddings
    q = jnp.concatenate([x, h_aggr], axis=1)
    # linear layer + relu activation
    out = q @ W.T + b
    return jax.nn.relu(out)

if __name__ == "__main__":
    import jax
    _d = setup_inputs()
    print(jax.jit(kernel)(*tuple(_d.values())))

</pallas_src>

<mosaic_0001>
#map = affine_map<(d0, d1) -> (0, 0)>
#map1 = affine_map<(d0, d1) -> (0, 0, 0)>
module attributes {stable_mosaic.version = 14 : i64} {
  func.func @seg(%arg0: i32, %arg1: i32, %arg2: memref<320000x128xf32, #tpu.memory_space<hbm>>, %arg3: memref<32x125x80xi32, #tpu.memory_space<hbm>>, %arg4: memref<20000x128xf32, #tpu.memory_space<hbm>>, %arg5: memref<125x80xi32, #tpu.memory_space<vmem>>, %arg6: memref<3x80x128xf32, #tpu.memory_space<vmem>>, %arg7: memref<10000x128xf32, #tpu.memory_space<vmem_shared>>, %arg8: memref<!tpu.dma_semaphore, #tpu.memory_space<semaphore_mem>>, %arg9: memref<!tpu.dma_semaphore, #tpu.memory_space<semaphore_mem>>, %arg10: memref<!tpu.dma_semaphore, #tpu.memory_space<semaphore_mem>>, %arg11: memref<!tpu.dma_semaphore, #tpu.memory_space<semaphore_mem>>, %arg12: memref<!tpu.dma_semaphore, #tpu.memory_space<semaphore_mem>>, %arg13: memref<!tpu.dma_semaphore, #tpu.memory_space<semaphore_mem>>, %arg14: memref<!tpu.dma_semaphore, #tpu.memory_space<semaphore_mem>>, %arg15: memref<!tpu.dma_semaphore, #tpu.memory_space<semaphore_mem>>) attributes {dimension_semantics = [#tpu.dimension_semantics<core_parallel>, #tpu.dimension_semantics<subcore_parallel>], iteration_bounds = array<i64: 2, 16>, scalar_prefetch = 0 : i64, scratch_operands = 11 : i64, tpu.core_type = #tpu.core_type<sc_vector_subcore>, window_params = [{transform_indices = #map}, {transform_indices = #map1}, {transform_indices = #map}]} {
    %mul3A = arith.constant 16 : i32
    %mul3A_0 = arith.muli %arg0, %mul3A : i32
    %add3A = arith.addi %mul3A_0, %arg1 : i32
    %mul3A_1 = arith.constant 10000 : i32
    %mul3A_2 = arith.muli %add3A, %mul3A_1 : i32
    %dma_start3A = arith.constant 0 : i32
    %dma_start3A_3 = arith.constant 0 : i32
    %dma_start3A_4 = tpu.memref_slice %arg3[%add3A, %dma_start3A, %dma_start3A_3] : memref<32x125x80xi32, #tpu.memory_space<hbm>> -> memref<1x125x80xi32, #tpu.memory_space<hbm>>
    %dma_start3A_5 = tpu.memref_squeeze %dma_start3A_4 : memref<1x125x80xi32, #tpu.memory_space<hbm>> -> memref<125x80xi32, #tpu.memory_space<hbm>>
    %dma_start3A_6 = arith.constant 0 : i32
    %dma_start3A_7 = arith.constant 0 : i32
    %dma_start3A_8 = tpu.memref_slice %arg3[%add3A, %dma_start3A_6, %dma_start3A_7] : memref<32x125x80xi32, #tpu.memory_space<hbm>> -> memref<1x125x80xi32, #tpu.memory_space<hbm>>
    %dma_start3A_9 = tpu.memref_squeeze %dma_start3A_8 : memref<1x125x80xi32, #tpu.memory_space<hbm>> -> memref<125x80xi32, #tpu.memory_space<hbm>>
    tpu.enqueue_dma source(%dma_start3A_9 : memref<125x80xi32, #tpu.memory_space<hbm>>) target(%arg5 : memref<125x80xi32, #tpu.memory_space<vmem>>) target_semaphore(%arg15 : memref<!tpu.dma_semaphore, #tpu.memory_space<semaphore_mem>>)
    %scan3A = arith.constant 0 : i32
    %scan3A_10 = arith.constant 0 : i32
    %scan3A_11 = arith.constant 80 : i32
    %scan3A_12 = arith.addi %scan3A_10, %scan3A_11 : i32
    %scan3A_13 = arith.constant 1 : i32
    scf.for %scan3A_344 = %scan3A_10 to %scan3A_12 step %scan3A_13  : i32 {
      %scan3A_345 = arith.constant 0 : i32
      %scan3A_346 = arith.constant 8 : i32
      %scan3A_347 = arith.addi %scan3A_345, %scan3A_346 : i32
      %scan3A_348 = arith.constant 1 : i32
      scf.for %scan3A_350 = %scan3A_345 to %scan3A_347 step %scan3A_348  : i32 {
        %broadcast_in_dim3A = arith.constant 0.000000e+00 : f32
        %broadcast_in_dim3A_351 = vector.broadcast %broadcast_in_dim3A : f32 to vector<16xf32>
        %mul3A_352 = arith.constant 16 : i32
        %mul3A_353 = arith.muli %scan3A_350, %mul3A_352 : i32
        %swap3A = arith.constant 2 : i32
        %swap3A_354 = arith.index_cast %swap3A : i32 to index
        %swap3A_355 = arith.index_cast %scan3A_344 : i32 to index
        %swap3A_356 = arith.index_cast %mul3A_353 : i32 to index
        %swap3A_357 = tpu.vector_load %arg6[%swap3A_354, %swap3A_355, %swap3A_356] {strides = array<i32>} : memref<3x80x128xf32, #tpu.memory_space<vmem>>, vector<1x1x16xf32>,
        %swap3A_358 = vector.shape_cast %swap3A_357 : vector<1x1x16xf32> to vector<16xf32>
        %swap3A_359 = vector.shape_cast %broadcast_in_dim3A_351 : vector<16xf32> to vector<1x1x16xf32>
        tpu.vector_store %arg6[%swap3A_354, %swap3A_355, %swap3A_356], %swap3A_359 {strides = array<i32>} : memref<3x80x128xf32, #tpu.memory_space<vmem>>, vector<1x1x16xf32>,
      }
      %scan3A_349 = arith.constant 8 : i32
    }
    %scan3A_14 = arith.constant 80 : i32
    %add3A_15 = arith.constant 0 : i32
    %add3A_16 = arith.addi %add3A_15, %arg1 : i32
    %lt3A = arith.constant 125 : i32
    %lt3A_17 = arith.cmpi slt, %add3A_16, %lt3A : i32
    %convert_element_type3A = arith.extui %lt3A_17 : i1 to i32
    %cond3A = arith.constant 2 : i32
    %cond3A_18 = arith.constant 0 : i32
    %cond3A_19 = arith.cmpi ne, %convert_element_type3A, %cond3A_18 : i32
    scf.if %cond3A_19 {
      %mul3A_344 = arith.constant 80 : i32
      %mul3A_345 = arith.muli %add3A_16, %mul3A_344 : i32
      %dma_start3A_346 = arith.constant 0 : i32
      %dma_start3A_347 = arith.constant 0 : i32
      %dma_start3A_348 = tpu.memref_slice %arg6[%cond3A, %dma_start3A_346, %dma_start3A_347] : memref<3x80x128xf32, #tpu.memory_space<vmem>> -> memref<1x80x128xf32, #tpu.memory_space<vmem>>
      %dma_start3A_349 = tpu.memref_squeeze %dma_start3A_348 : memref<1x80x128xf32, #tpu.memory_space<vmem>> -> memref<80x128xf32, #tpu.memory_space<vmem>>
      %dma_start3A_350 = arith.constant 0 : i32
      %dma_start3A_351 = tpu.memref_slice %arg7[%mul3A_345, %dma_start3A_350] : memref<10000x128xf32, #tpu.memory_space<vmem_shared>> -> memref<80x128xf32, #tpu.memory_space<vmem_shared>>
      %dma_start3A_352 = arith.constant 0 : i32
      %dma_start3A_353 = tpu.memref_slice %arg7[%mul3A_345, %dma_start3A_352] : memref<10000x128xf32, #tpu.memory_space<vmem_shared>> -> memref<80x128xf32, #tpu.memory_space<vmem_shared>>
      %dma_start3A_354 = arith.constant 0 : i32
      %dma_start3A_355 = arith.constant 0 : i32
      %dma_start3A_356 = tpu.memref_slice %arg6[%cond3A, %dma_start3A_354, %dma_start3A_355] : memref<3x80x128xf32, #tpu.memory_space<vmem>> -> memref<1x80x128xf32, #tpu.memory_space<vmem>>
      %dma_start3A_357 = tpu.memref_squeeze %dma_start3A_356 : memref<1x80x128xf32, #tpu.memory_space<vmem>> -> memref<80x128xf32, #tpu.memory_space<vmem>>
      tpu.enqueue_dma source(%dma_start3A_357 : memref<80x128xf32, #tpu.memory_space<vmem>>) target(%dma_start3A_353 : memref<80x128xf32, #tpu.memory_space<vmem_shared>>) target_semaphore(%arg14 : memref<!tpu.dma_semaphore, #tpu.memory_space<semaphore_mem>>)
    } else {
    }
    %add3A_20 = arith.constant 16 : i32
    %add3A_21 = arith.addi %add3A_20, %arg1 : i32
    %lt3A_22 = arith.constant 125 : i32
    %lt3A_23 = arith.cmpi slt, %add3A_21, %lt3A_22 : i32
    %convert_element_type3A_24 = arith.extui %lt3A_23 : i1 to i32
    %cond3A_25 = arith.constant 2 : i32
    %cond3A_26 = arith.constant 0 : i32
    %cond3A_27 = arith.cmpi ne, %convert_element_type3A_24, %cond3A_26 : i32
    scf.if %cond3A_27 {
      %mul3A_344 = arith.constant 80 : i32
      %mul3A_345 = arith.muli %add3A_21, %mul3A_344 : i32
      %dma_start3A_346 = arith.constant 0 : i32
      %dma_start3A_347 = arith.constant 0 : i32
      %dma_start3A_348 = tpu.memref_slice %arg6[%cond3A_25, %dma_start3A_346, %dma_start3A_347] : memref<3x80x128xf32, #tpu.memory_space<vmem>> -> memref<1x80x128xf32, #tpu.memory_space<vmem>>
      %dma_start3A_349 = tpu.memref_squeeze %dma_start3A_348 : memref<1x80x128xf32, #tpu.memory_space<vmem>> -> memref<80x128xf32, #tpu.memory_space<vmem>>
      %dma_start3A_350 = arith.constant 0 : i32
      %dma_start3A_351 = tpu.memref_slice %arg7[%mul3A_345, %dma_start3A_350] : memref<10000x128xf32, #tpu.memory_space<vmem_shared>> -> memref<80x128xf32, #tpu.memory_space<vmem_shared>>
      %dma_start3A_352 = arith.constant 0 : i32
      %dma_start3A_353 = tpu.memref_slice %arg7[%mul3A_345, %dma_start3A_352] : memref<10000x128xf32, #tpu.memory_space<vmem_shared>> -> memref<80x128xf32, #tpu.memory_space<vmem_shared>>
      %dma_start3A_354 = arith.constant 0 : i32
      %dma_start3A_355 = arith.constant 0 : i32
      %dma_start3A_356 = tpu.memref_slice %arg6[%cond3A_25, %dma_start3A_354, %dma_start3A_355] : memref<3x80x128xf32, #tpu.memory_space<vmem>> -> memref<1x80x128xf32, #tpu.memory_space<vmem>>
      %dma_start3A_357 = tpu.memref_squeeze %dma_start3A_356 : memref<1x80x128xf32, #tpu.memory_space<vmem>> -> memref<80x128xf32, #tpu.memory_space<vmem>>
      tpu.enqueue_dma source(%dma_start3A_357 : memref<80x128xf32, #tpu.memory_space<vmem>>) target(%dma_start3A_353 : memref<80x128xf32, #tpu.memory_space<vmem_shared>>) target_semaphore(%arg14 : memref<!tpu.dma_semaphore, #tpu.memory_space<semaphore_mem>>)
    } else {
    }
    %add3A_28 = arith.constant 32 : i32
    %add3A_29 = arith.addi %add3A_28, %arg1 : i32
    %lt3A_30 = arith.constant 125 : i32
    %lt3A_31 = arith.cmpi slt, %add3A_29, %lt3A_30 : i32
    %convert_element_type3A_32 = arith.extui %lt3A_31 : i1 to i32
    %cond3A_33 = arith.constant 2 : i32
    %cond3A_34 = arith.constant 0 : i32
    %cond3A_35 = arith.cmpi ne, %convert_element_type3A_32, %cond3A_34 : i32
    scf.if %cond3A_35 {
      %mul3A_344 = arith.constant 80 : i32
      %mul3A_345 = arith.muli %add3A_29, %mul3A_344 : i32
      %dma_start3A_346 = arith.constant 0 : i32
      %dma_start3A_347 = arith.constant 0 : i32
      %dma_start3A_348 = tpu.memref_slice %arg6[%cond3A_33, %dma_start3A_346, %dma_start3A_347] : memref<3x80x128xf32, #tpu.memory_space<vmem>> -> memref<1x80x128xf32, #tpu.memory_space<vmem>>
      %dma_start3A_349 = tpu.memref_squeeze %dma_start3A_348 : memref<1x80x128xf32, #tpu.memory_space<vmem>> -> memref<80x128xf32, #tpu.memory_space<vmem>>
      %dma_start3A_350 = arith.constant 0 : i32
      %dma_start3A_351 = tpu.memref_slice %arg7[%mul3A_345, %dma_start3A_350] : memref<10000x128xf32, #tpu.memory_space<vmem_shared>> -> memref<80x128xf32, #tpu.memory_space<vmem_shared>>
      %dma_start3A_352 = arith.constant 0 : i32
      %dma_start3A_353 = tpu.memref_slice %arg7[%mul3A_345, %dma_start3A_352] : memref<10000x128xf32, #tpu.memory_space<vmem_shared>> -> memref<80x128xf32, #tpu.memory_space<vmem_shared>>
      %dma_start3A_354 = arith.constant 0 : i32
      %dma_start3A_355 = arith.constant 0 : i32
      %dma_start3A_356 = tpu.memref_slice %arg6[%cond3A_33, %dma_start3A_354, %dma_start3A_355] : memref<3x80x128xf32, #tpu.memory_space<vmem>> -> memref<1x80x128xf32, #tpu.memory_space<vmem>>
      %dma_start3A_357 = tpu.memref_squeeze %dma_start3A_356 : memref<1x80x128xf32, #tpu.memory_space<vmem>> -> memref<80x128xf32, #tpu.memory_space<vmem>>
      tpu.enqueue_dma source(%dma_start3A_357 : memref<80x128xf32, #tpu.memory_space<vmem>>) target(%dma_start3A_353 : memref<80x128xf32, #tpu.memory_space<vmem_shared>>) target_semaphore(%arg14 : memref<!tpu.dma_semaphore, #tpu.memory_space<semaphore_mem>>)
    } else {
    }
    %add3A_36 = arith.constant 48 : i32
    %add3A_37 = arith.addi %add3A_36, %arg1 : i32
    %lt3A_38 = arith.constant 125 : i32
    %lt3A_39 = arith.cmpi slt, %add3A_37, %lt3A_38 : i32
    %convert_element_type3A_40 = arith.extui %lt3A_39 : i1 to i32
    %cond3A_41 = arith.constant 2 : i32
    %cond3A_42 = arith.constant 0 : i32
    %cond3A_43 = arith.cmpi ne, %convert_element_type3A_40, %cond3A_42 : i32
    scf.if %cond3A_43 {
      %mul3A_344 = arith.constant 80 : i32
      %mul3A_345 = arith.muli %add3A_37, %mul3A_344 : i32
      %dma_start3A_346 = arith.constant 0 : i32
      %dma_start3A_347 = arith.constant 0 : i32
      %dma_start3A_348 = tpu.memref_slice %arg6[%cond3A_41, %dma_start3A_346, %dma_start3A_347] : memref<3x80x128xf32, #tpu.memory_space<vmem>> -> memref<1x80x128xf32, #tpu.memory_space<vmem>>
      %dma_start3A_349 = tpu.memref_squeeze %dma_start3A_348 : memref<1x80x128xf32, #tpu.memory_space<vmem>> -> memref<80x128xf32, #tpu.memory_space<vmem>>
      %dma_start3A_350 = arith.constant 0 : i32
      %dma_start3A_351 = tpu.memref_slice %arg7[%mul3A_345, %dma_start3A_350] : memref<10000x128xf32, #tpu.memory_space<vmem_shared>> -> memref<80x128xf32, #tpu.memory_space<vmem_shared>>
      %dma_start3A_352 = arith.constant 0 : i32
      %dma_start3A_353 = tpu.memref_slice %arg7[%mul3A_345, %dma_start3A_352] : memref<10000x128xf32, #tpu.memory_space<vmem_shared>> -> memref<80x128xf32, #tpu.memory_space<vmem_shared>>
      %dma_start3A_354 = arith.constant 0 : i32
      %dma_start3A_355 = arith.constant 0 : i32
      %dma_start3A_356 = tpu.memref_slice %arg6[%cond3A_41, %dma_start3A_354, %dma_start3A_355] : memref<3x80x128xf32, #tpu.memory_space<vmem>> -> memref<1x80x128xf32, #tpu.memory_space<vmem>>
      %dma_start3A_357 = tpu.memref_squeeze %dma_start3A_356 : memref<1x80x128xf32, #tpu.memory_space<vmem>> -> memref<80x128xf32, #tpu.memory_space<vmem>>
      tpu.enqueue_dma source(%dma_start3A_357 : memref<80x128xf32, #tpu.memory_space<vmem>>) target(%dma_start3A_353 : memref<80x128xf32, #tpu.memory_space<vmem_shared>>) target_semaphore(%arg14 : memref<!tpu.dma_semaphore, #tpu.memory_space<semaphore_mem>>)
    } else {
    }
    %add3A_44 = arith.constant 64 : i32
    %add3A_45 = arith.addi %add3A_44, %arg1 : i32
    %lt3A_46 = arith.constant 125 : i32
    %lt3A_47 = arith.cmpi slt, %add3A_45, %lt3A_46 : i32
    %convert_element_type3A_48 = arith.extui %lt3A_47 : i1 to i32
    %cond3A_49 = arith.constant 2 : i32
    %cond3A_50 = arith.constant 0 : i32
    %cond3A_51 = arith.cmpi ne, %convert_element_type3A_48, %cond3A_50 : i32
    scf.if %cond3A_51 {
      %mul3A_344 = arith.constant 80 : i32
      %mul3A_345 = arith.muli %add3A_45, %mul3A_344 : i32
      %dma_start3A_346 = arith.constant 0 : i32
      %dma_start3A_347 = arith.constant 0 : i32
      %dma_start3A_348 = tpu.memref_slice %arg6[%cond3A_49, %dma_start3A_346, %dma_start3A_347] : memref<3x80x128xf32, #tpu.memory_space<vmem>> -> memref<1x80x128xf32, #tpu.memory_space<vmem>>
      %dma_start3A_349 = tpu.memref_squeeze %dma_start3A_348 : memref<1x80x128xf32, #tpu.memory_space<vmem>> -> memref<80x128xf32, #tpu.memory_space<vmem>>
      %dma_start3A_350 = arith.constant 0 : i32
      %dma_start3A_351 = tpu.memref_slice %arg7[%mul3A_345, %dma_start3A_350] : memref<10000x128xf32, #tpu.memory_space<vmem_shared>> -> memref<80x128xf32, #tpu.memory_space<vmem_shared>>
      %dma_start3A_352 = arith.constant 0 : i32
      %dma_start3A_353 = tpu.memref_slice %arg7[%mul3A_345, %dma_start3A_352] : memref<10000x128xf32, #tpu.memory_space<vmem_shared>> -> memref<80x128xf32, #tpu.memory_space<vmem_shared>>
      %dma_start3A_354 = arith.constant 0 : i32
      %dma_start3A_355 = arith.constant 0 : i32
      %dma_start3A_356 = tpu.memref_slice %arg6[%cond3A_49, %dma_start3A_354, %dma_start3A_355] : memref<3x80x128xf32, #tpu.memory_space<vmem>> -> memref<1x80x128xf32, #tpu.memory_space<vmem>>
      %dma_start3A_357 = tpu.memref_squeeze %dma_start3A_356 : memref<1x80x128xf32, #tpu.memory_space<vmem>> -> memref<80x128xf32, #tpu.memory_space<vmem>>
      tpu.enqueue_dma source(%dma_start3A_357 : memref<80x128xf32, #tpu.memory_space<vmem>>) target(%dma_start3A_353 : memref<80x128xf32, #tpu.memory_space<vmem_shared>>) target_semaphore(%arg14 : memref<!tpu.dma_semaphore, #tpu.memory_space<semaphore_mem>>)
    } else {
    }
    %add3A_52 = arith.constant 80 : i32
    %add3A_53 = arith.addi %add3A_52, %arg1 : i32
    %lt3A_54 = arith.constant 125 : i32
    %lt3A_55 = arith.cmpi slt, %add3A_53, %lt3A_54 : i32
    %convert_element_type3A_56 = arith.extui %lt3A_55 : i1 to i32
    %cond3A_57 = arith.constant 2 : i32
    %cond3A_58 = arith.constant 0 : i32
    %cond3A_59 = arith.cmpi ne, %convert_element_type3A_56, %cond3A_58 : i32
    scf.if %cond3A_59 {
      %mul3A_344 = arith.constant 80 : i32
      %mul3A_345 = arith.muli %add3A_53, %mul3A_344 : i32
      %dma_start3A_346 = arith.constant 0 : i32
      %dma_start3A_347 = arith.constant 0 : i32
      %dma_start3A_348 = tpu.memref_slice %arg6[%cond3A_57, %dma_start3A_346, %dma_start3A_347] : memref<3x80x128xf32, #tpu.memory_space<vmem>> -> memref<1x80x128xf32, #tpu.memory_space<vmem>>
      %dma_start3A_349 = tpu.memref_squeeze %dma_start3A_348 : memref<1x80x128xf32, #tpu.memory_space<vmem>> -> memref<80x128xf32, #tpu.memory_space<vmem>>
      %dma_start3A_350 = arith.constant 0 : i32
      %dma_start3A_351 = tpu.memref_slice %arg7[%mul3A_345, %dma_start3A_350] : memref<10000x128xf32, #tpu.memory_space<vmem_shared>> -> memref<80x128xf32, #tpu.memory_space<vmem_shared>>
      %dma_start3A_352 = arith.constant 0 : i32
      %dma_start3A_353 = tpu.memref_slice %arg7[%mul3A_345, %dma_start3A_352] : memref<10000x128xf32, #tpu.memory_space<vmem_shared>> -> memref<80x128xf32, #tpu.memory_space<vmem_shared>>
      %dma_start3A_354 = arith.constant 0 : i32
      %dma_start3A_355 = arith.constant 0 : i32
      %dma_start3A_356 = tpu.memref_slice %arg6[%cond3A_57, %dma_start3A_354, %dma_start3A_355] : memref<3x80x128xf32, #tpu.memory_space<vmem>> -> memref<1x80x128xf32, #tpu.memory_space<vmem>>
      %dma_start3A_357 = tpu.memref_squeeze %dma_start3A_356 : memref<1x80x128xf32, #tpu.memory_space<vmem>> -> memref<80x128xf32, #tpu.memory_space<vmem>>
      tpu.enqueue_dma source(%dma_start3A_357 : memref<80x128xf32, #tpu.memory_space<vmem>>) target(%dma_start3A_353 : memref<80x128xf32, #tpu.memory_space<vmem_shared>>) target_semaphore(%arg14 : memref<!tpu.dma_semaphore, #tpu.memory_space<semaphore_mem>>)
    } else {
    }
    %add3A_60 = arith.constant 96 : i32
    %add3A_61 = arith.addi %add3A_60, %arg1 : i32
    %lt3A_62 = arith.constant 125 : i32
    %lt3A_63 = arith.cmpi slt, %add3A_61, %lt3A_62 : i32
    %convert_element_type3A_64 = arith.extui %lt3A_63 : i1 to i32
    %cond3A_65 = arith.constant 2 : i32
    %cond3A_66 = arith.constant 0 : i32
    %cond3A_67 = arith.cmpi ne, %convert_element_type3A_64, %cond3A_66 : i32
    scf.if %cond3A_67 {
      %mul3A_344 = arith.constant 80 : i32
      %mul3A_345 = arith.muli %add3A_61, %mul3A_344 : i32
      %dma_start3A_346 = arith.constant 0 : i32
      %dma_start3A_347 = arith.constant 0 : i32
      %dma_start3A_348 = tpu.memref_slice %arg6[%cond3A_65, %dma_start3A_346, %dma_start3A_347] : memref<3x80x128xf32, #tpu.memory_space<vmem>> -> memref<1x80x128xf32, #tpu.memory_space<vmem>>
      %dma_start3A_349 = tpu.memref_squeeze %dma_start3A_348 : memref<1x80x128xf32, #tpu.memory_space<vmem>> -> memref<80x128xf32, #tpu.memory_space<vmem>>
      %dma_start3A_350 = arith.constant 0 : i32
      %dma_start3A_351 = tpu.memref_slice %arg7[%mul3A_345, %dma_start3A_350] : memref<10000x128xf32, #tpu.memory_space<vmem_shared>> -> memref<80x128xf32, #tpu.memory_space<vmem_shared>>
      %dma_start3A_352 = arith.constant 0 : i32
      %dma_start3A_353 = tpu.memref_slice %arg7[%mul3A_345, %dma_start3A_352] : memref<10000x128xf32, #tpu.memory_space<vmem_shared>> -> memref<80x128xf32, #tpu.memory_space<vmem_shared>>
      %dma_start3A_354 = arith.constant 0 : i32
      %dma_start3A_355 = arith.constant 0 : i32
      %dma_start3A_356 = tpu.memref_slice %arg6[%cond3A_65, %dma_start3A_354, %dma_start3A_355] : memref<3x80x128xf32, #tpu.memory_space<vmem>> -> memref<1x80x128xf32, #tpu.memory_space<vmem>>
      %dma_start3A_357 = tpu.memref_squeeze %dma_start3A_356 : memref<1x80x128xf32, #tpu.memory_space<vmem>> -> memref<80x128xf32, #tpu.memory_space<vmem>>
      tpu.enqueue_dma source(%dma_start3A_357 : memref<80x128xf32, #tpu.memory_space<vmem>>) target(%dma_start3A_353 : memref<80x128xf32, #tpu.memory_space<vmem_shared>>) target_semaphore(%arg14 : memref<!tpu.dma_semaphore, #tpu.memory_space<semaphore_mem>>)
    } else {
    }
    %add3A_68 = arith.constant 112 : i32
    %add3A_69 = arith.addi %add3A_68, %arg1 : i32
    %lt3A_70 = arith.constant 125 : i32
    %lt3A_71 = arith.cmpi slt, %add3A_69, %lt3A_70 : i32
    %convert_element_type3A_72 = arith.extui %lt3A_71 : i1 to i32
    %cond3A_73 = arith.constant 2 : i32
    %cond3A_74 = arith.constant 0 : i32
    %cond3A_75 = arith.cmpi ne, %convert_element_type3A_72, %cond3A_74 : i32
    scf.if %cond3A_75 {
      %mul3A_344 = arith.constant 80 : i32
      %mul3A_345 = arith.muli %add3A_69, %mul3A_344 : i32
      %dma_start3A_346 = arith.constant 0 : i32
      %dma_start3A_347 = arith.constant 0 : i32
      %dma_start3A_348 = tpu.memref_slice %arg6[%cond3A_73, %dma_start3A_346, %dma_start3A_347] : memref<3x80x128xf32, #tpu.memory_space<vmem>> -> memref<1x80x128xf32, #tpu.memory_space<vmem>>
      %dma_start3A_349 = tpu.memref_squeeze %dma_start3A_348 : memref<1x80x128xf32, #tpu.memory_space<vmem>> -> memref<80x128xf32, #tpu.memory_space<vmem>>
      %dma_start3A_350 = arith.constant 0 : i32
      %dma_start3A_351 = tpu.memref_slice %arg7[%mul3A_345, %dma_start3A_350] : memref<10000x128xf32, #tpu.memory_space<vmem_shared>> -> memref<80x128xf32, #tpu.memory_space<vmem_shared>>
      %dma_start3A_352 = arith.constant 0 : i32
      %dma_start3A_353 = tpu.memref_slice %arg7[%mul3A_345, %dma_start3A_352] : memref<10000x128xf32, #tpu.memory_space<vmem_shared>> -> memref<80x128xf32, #tpu.memory_space<vmem_shared>>
      %dma_start3A_354 = arith.constant 0 : i32
      %dma_start3A_355 = arith.constant 0 : i32
      %dma_start3A_356 = tpu.memref_slice %arg6[%cond3A_73, %dma_start3A_354, %dma_start3A_355] : memref<3x80x128xf32, #tpu.memory_space<vmem>> -> memref<1x80x128xf32, #tpu.memory_space<vmem>>
      %dma_start3A_357 = tpu.memref_squeeze %dma_start3A_356 : memref<1x80x128xf32, #tpu.memory_space<vmem>> -> memref<80x128xf32, #tpu.memory_space<vmem>>
      tpu.enqueue_dma source(%dma_start3A_357 : memref<80x128xf32, #tpu.memory_space<vmem>>) target(%dma_start3A_353 : memref<80x128xf32, #tpu.memory_space<vmem_shared>>) target_semaphore(%arg14 : memref<!tpu.dma_semaphore, #tpu.memory_space<semaphore_mem>>)
    } else {
    }
    %add3A_76 = arith.constant 0 : i32
    %add3A_77 = arith.addi %mul3A_2, %add3A_76 : i32
    %dma_start3A_78 = arith.constant 0 : i32
    %dma_start3A_79 = arith.constant 0 : i32
    %dma_start3A_80 = arith.constant 0 : i32
    %dma_start3A_81 = tpu.memref_slice %arg6[%dma_start3A_78, %dma_start3A_79, %dma_start3A_80] : memref<3x80x128xf32, #tpu.memory_space<vmem>> -> memref<1x80x128xf32, #tpu.memory_space<vmem>>
    %dma_start3A_82 = tpu.memref_squeeze %dma_start3A_81 : memref<1x80x128xf32, #tpu.memory_space<vmem>> -> memref<80x128xf32, #tpu.memory_space<vmem>>
    %dma_start3A_83 = arith.constant 0 : i32
    %dma_start3A_84 = tpu.memref_slice %arg2[%add3A_77, %dma_start3A_83] : memref<320000x128xf32, #tpu.memory_space<hbm>> -> memref<80x128xf32, #tpu.memory_space<hbm>>
    %dma_start3A_85 = arith.constant 0 : i32
    %dma_start3A_86 = arith.constant 0 : i32
    %dma_start3A_87 = tpu.memref_slice %arg6[%dma_start3A_78, %dma_start3A_85, %dma_start3A_86] : memref<3x80x128xf32, #tpu.memory_space<vmem>> -> memref<1x80x128xf32, #tpu.memory_space<vmem>>
    %dma_start3A_88 = tpu.memref_squeeze %dma_start3A_87 : memref<1x80x128xf32, #tpu.memory_space<vmem>> -> memref<80x128xf32, #tpu.memory_space<vmem>>
    %dma_start3A_89 = arith.constant 0 : i32
    %dma_start3A_90 = tpu.memref_slice %arg2[%add3A_77, %dma_start3A_89] : memref<320000x128xf32, #tpu.memory_space<hbm>> -> memref<80x128xf32, #tpu.memory_space<hbm>>
    tpu.enqueue_dma source(%dma_start3A_90 : memref<80x128xf32, #tpu.memory_space<hbm>>) target(%dma_start3A_88 : memref<80x128xf32, #tpu.memory_space<vmem>>) target_semaphore(%arg8 : memref<!tpu.dma_semaphore, #tpu.memory_space<semaphore_mem>>)
    %add3A_91 = arith.constant 80 : i32
    %add3A_92 = arith.addi %mul3A_2, %add3A_91 : i32
    %dma_start3A_93 = arith.constant 1 : i32
    %dma_start3A_94 = arith.constant 0 : i32
    %dma_start3A_95 = arith.constant 0 : i32
    %dma_start3A_96 = tpu.memref_slice %arg6[%dma_start3A_93, %dma_start3A_94, %dma_start3A_95] : memref<3x80x128xf32, #tpu.memory_space<vmem>> -> memref<1x80x128xf32, #tpu.memory_space<vmem>>
    %dma_start3A_97 = tpu.memref_squeeze %dma_start3A_96 : memref<1x80x128xf32, #tpu.memory_space<vmem>> -> memref<80x128xf32, #tpu.memory_space<vmem>>
    %dma_start3A_98 = arith.constant 0 : i32
    %dma_start3A_99 = tpu.memref_slice %arg2[%add3A_92, %dma_start3A_98] : memref<320000x128xf32, #tpu.memory_space<hbm>> -> memref<80x128xf32, #tpu.memory_space<hbm>>
    %dma_start3A_100 = arith.constant 0 : i32
    %dma_start3A_101 = arith.constant 0 : i32
    %dma_start3A_102 = tpu.memref_slice %arg6[%dma_start3A_93, %dma_start3A_100, %dma_start3A_101] : memref<3x80x128xf32, #tpu.memory_space<vmem>> -> memref<1x80x128xf32, #tpu.memory_space<vmem>>
    %dma_start3A_103 = tpu.memref_squeeze %dma_start3A_102 : memref<1x80x128xf32, #tpu.memory_space<vmem>> -> memref<80x128xf32, #tpu.memory_space<vmem>>
    %dma_start3A_104 = arith.constant 0 : i32
    %dma_start3A_105 = tpu.memref_slice %arg2[%add3A_92, %dma_start3A_104] : memref<320000x128xf32, #tpu.memory_space<hbm>> -> memref<80x128xf32, #tpu.memory_space<hbm>>
    tpu.enqueue_dma source(%dma_start3A_105 : memref<80x128xf32, #tpu.memory_space<hbm>>) target(%dma_start3A_103 : memref<80x128xf32, #tpu.memory_space<vmem>>) target_semaphore(%arg9 : memref<!tpu.dma_semaphore, #tpu.memory_space<semaphore_mem>>)
    %add3A_106 = arith.constant 0 : i32
    %add3A_107 = arith.addi %add3A_106, %arg1 : i32
    %lt3A_108 = arith.constant 125 : i32
    %lt3A_109 = arith.cmpi slt, %add3A_107, %lt3A_108 : i32
    %convert_element_type3A_110 = arith.extui %lt3A_109 : i1 to i32
    %cond3A_111 = arith.constant 2 : i32
    %cond3A_112 = arith.constant 0 : i32
    %cond3A_113 = arith.cmpi ne, %convert_element_type3A_110, %cond3A_112 : i32
    scf.if %cond3A_113 {
      %mul3A_344 = arith.constant 80 : i32
      %mul3A_345 = arith.muli %add3A_107, %mul3A_344 : i32
      %dma_wait3A_346 = arith.constant 0 : i32
      %dma_wait3A_347 = arith.constant 0 : i32
      %dma_wait3A_348 = tpu.memref_slice %arg6[%cond3A_111, %dma_wait3A_346, %dma_wait3A_347] : memref<3x80x128xf32, #tpu.memory_space<vmem>> -> memref<1x80x128xf32, #tpu.memory_space<vmem>>
      %dma_wait3A_349 = tpu.memref_squeeze %dma_wait3A_348 : memref<1x80x128xf32, #tpu.memory_space<vmem>> -> memref<80x128xf32, #tpu.memory_space<vmem>>
      %dma_wait3A_350 = arith.constant 0 : i32
      %dma_wait3A_351 = tpu.memref_slice %arg7[%mul3A_345, %dma_wait3A_350] : memref<10000x128xf32, #tpu.memory_space<vmem_shared>> -> memref<80x128xf32, #tpu.memory_space<vmem_shared>>
      %dma_wait3A_352 = arith.constant 0 : i32
      %dma_wait3A_353 = tpu.memref_slice %arg7[%mul3A_345, %dma_wait3A_352] : memref<10000x128xf32, #tpu.memory_space<vmem_shared>> -> memref<80x128xf32, #tpu.memory_space<vmem_shared>>
      %dma_wait3A_354 = arith.constant 0 : i32
      %dma_wait3A_355 = arith.constant 0 : i32
      %dma_wait3A_356 = tpu.memref_slice %arg6[%cond3A_111, %dma_wait3A_354, %dma_wait3A_355] : memref<3x80x128xf32, #tpu.memory_space<vmem>> -> memref<1x80x128xf32, #tpu.memory_space<vmem>>
      %dma_wait3A_357 = tpu.memref_squeeze %dma_wait3A_356 : memref<1x80x128xf32, #tpu.memory_space<vmem>> -> memref<80x128xf32, #tpu.memory_space<vmem>>
      tpu.wait_dma2 semaphore(%arg14 : memref<!tpu.dma_semaphore, #tpu.memory_space<semaphore_mem>>) src(%dma_wait3A_357 : memref<80x128xf32, #tpu.memory_space<vmem>>) dst(%dma_wait3A_353 : memref<80x128xf32, #tpu.memory_space<vmem_shared>>)
    } else {
    }
    %add3A_114 = arith.constant 16 : i32
    %add3A_115 = arith.addi %add3A_114, %arg1 : i32
    %lt3A_116 = arith.constant 125 : i32
    %lt3A_117 = arith.cmpi slt, %add3A_115, %lt3A_116 : i32
    %convert_element_type3A_118 = arith.extui %lt3A_117 : i1 to i32
    %cond3A_119 = arith.constant 2 : i32
    %cond3A_120 = arith.constant 0 : i32
    %cond3A_121 = arith.cmpi ne, %convert_element_type3A_118, %cond3A_120 : i32
    scf.if %cond3A_121 {
      %mul3A_344 = arith.constant 80 : i32
      %mul3A_345 = arith.muli %add3A_115, %mul3A_344 : i32
      %dma_wait3A_346 = arith.constant 0 : i32
      %dma_wait3A_347 = arith.constant 0 : i32
      %dma_wait3A_348 = tpu.memref_slice %arg6[%cond3A_119, %dma_wait3A_346, %dma_wait3A_347] : memref<3x80x128xf32, #tpu.memory_space<vmem>> -> memref<1x80x128xf32, #tpu.memory_space<vmem>>
      %dma_wait3A_349 = tpu.memref_squeeze %dma_wait3A_348 : memref<1x80x128xf32, #tpu.memory_space<vmem>> -> memref<80x128xf32, #tpu.memory_space<vmem>>
      %dma_wait3A_350 = arith.constant 0 : i32
      %dma_wait3A_351 = tpu.memref_slice %arg7[%mul3A_345, %dma_wait3A_350] : memref<10000x128xf32, #tpu.memory_space<vmem_shared>> -> memref<80x128xf32, #tpu.memory_space<vmem_shared>>
      %dma_wait3A_352 = arith.constant 0 : i32
      %dma_wait3A_353 = tpu.memref_slice %arg7[%mul3A_345, %dma_wait3A_352] : memref<10000x128xf32, #tpu.memory_space<vmem_shared>> -> memref<80x128xf32, #tpu.memory_space<vmem_shared>>
      %dma_wait3A_354 = arith.constant 0 : i32
      %dma_wait3A_355 = arith.constant 0 : i32
      %dma_wait3A_356 = tpu.memref_slice %arg6[%cond3A_119, %dma_wait3A_354, %dma_wait3A_355] : memref<3x80x128xf32, #tpu.memory_space<vmem>> -> memref<1x80x128xf32, #tpu.memory_space<vmem>>
      %dma_wait3A_357 = tpu.memref_squeeze %dma_wait3A_356 : memref<1x80x128xf32, #tpu.memory_space<vmem>> -> memref<80x128xf32, #tpu.memory_space<vmem>>
      tpu.wait_dma2 semaphore(%arg14 : memref<!tpu.dma_semaphore, #tpu.memory_space<semaphore_mem>>) src(%dma_wait3A_357 : memref<80x128xf32, #tpu.memory_space<vmem>>) dst(%dma_wait3A_353 : memref<80x128xf32, #tpu.memory_space<vmem_shared>>)
    } else {
    }
    %add3A_122 = arith.constant 32 : i32
    %add3A_123 = arith.addi %add3A_122, %arg1 : i32
    %lt3A_124 = arith.constant 125 : i32
    %lt3A_125 = arith.cmpi slt, %add3A_123, %lt3A_124 : i32
    %convert_element_type3A_126 = arith.extui %lt3A_125 : i1 to i32
    %cond3A_127 = arith.constant 2 : i32
    %cond3A_128 = arith.constant 0 : i32
    %cond3A_129 = arith.cmpi ne, %convert_element_type3A_126, %cond3A_128 : i32
    scf.if %cond3A_129 {
      %mul3A_344 = arith.constant 80 : i32
      %mul3A_345 = arith.muli %add3A_123, %mul3A_344 : i32
      %dma_wait3A_346 = arith.constant 0 : i32
      %dma_wait3A_347 = arith.constant 0 : i32
      %dma_wait3A_348 = tpu.memref_slice %arg6[%cond3A_127, %dma_wait3A_346, %dma_wait3A_347] : memref<3x80x128xf32, #tpu.memory_space<vmem>> -> memref<1x80x128xf32, #tpu.memory_space<vmem>>
      %dma_wait3A_349 = tpu.memref_squeeze %dma_wait3A_348 : memref<1x80x128xf32, #tpu.memory_space<vmem>> -> memref<80x128xf32, #tpu.memory_space<vmem>>
      %dma_wait3A_350 = arith.constant 0 : i32
      %dma_wait3A_351 = tpu.memref_slice %arg7[%mul3A_345, %dma_wait3A_350] : memref<10000x128xf32, #tpu.memory_space<vmem_shared>> -> memref<80x128xf32, #tpu.memory_space<vmem_shared>>
      %dma_wait3A_352 = arith.constant 0 : i32
      %dma_wait3A_353 = tpu.memref_slice %arg7[%mul3A_345, %dma_wait3A_352] : memref<10000x128xf32, #tpu.memory_space<vmem_shared>> -> memref<80x128xf32, #tpu.memory_space<vmem_shared>>
      %dma_wait3A_354 = arith.constant 0 : i32
      %dma_wait3A_355 = arith.constant 0 : i32
      %dma_wait3A_356 = tpu.memref_slice %arg6[%cond3A_127, %dma_wait3A_354, %dma_wait3A_355] : memref<3x80x128xf32, #tpu.memory_space<vmem>> -> memref<1x80x128xf32, #tpu.memory_space<vmem>>
      %dma_wait3A_357 = tpu.memref_squeeze %dma_wait3A_356 : memref<1x80x128xf32, #tpu.memory_space<vmem>> -> memref<80x128xf32, #tpu.memory_space<vmem>>
      tpu.wait_dma2 semaphore(%arg14 : memref<!tpu.dma_semaphore, #tpu.memory_space<semaphore_mem>>) src(%dma_wait3A_357 : memref<80x128xf32, #tpu.memory_space<vmem>>) dst(%dma_wait3A_353 : memref<80x128xf32, #tpu.memory_space<vmem_shared>>)
    } else {
    }
    %add3A_130 = arith.constant 48 : i32
    %add3A_131 = arith.addi %add3A_130, %arg1 : i32
    %lt3A_132 = arith.constant 125 : i32
    %lt3A_133 = arith.cmpi slt, %add3A_131, %lt3A_132 : i32
    %convert_element_type3A_134 = arith.extui %lt3A_133 : i1 to i32
    %cond3A_135 = arith.constant 2 : i32
    %cond3A_136 = arith.constant 0 : i32
    %cond3A_137 = arith.cmpi ne, %convert_element_type3A_134, %cond3A_136 : i32
    scf.if %cond3A_137 {
      %mul3A_344 = arith.constant 80 : i32
      %mul3A_345 = arith.muli %add3A_131, %mul3A_344 : i32
      %dma_wait3A_346 = arith.constant 0 : i32
      %dma_wait3A_347 = arith.constant 0 : i32
      %dma_wait3A_348 = tpu.memref_slice %arg6[%cond3A_135, %dma_wait3A_346, %dma_wait3A_347] : memref<3x80x128xf32, #tpu.memory_space<vmem>> -> memref<1x80x128xf32, #tpu.memory_space<vmem>>
      %dma_wait3A_349 = tpu.memref_squeeze %dma_wait3A_348 : memref<1x80x128xf32, #tpu.memory_space<vmem>> -> memref<80x128xf32, #tpu.memory_space<vmem>>
      %dma_wait3A_350 = arith.constant 0 : i32
      %dma_wait3A_351 = tpu.memref_slice %arg7[%mul3A_345, %dma_wait3A_350] : memref<10000x128xf32, #tpu.memory_space<vmem_shared>> -> memref<80x128xf32, #tpu.memory_space<vmem_shared>>
      %dma_wait3A_352 = arith.constant 0 : i32
      %dma_wait3A_353 = tpu.memref_slice %arg7[%mul3A_345, %dma_wait3A_352] : memref<10000x128xf32, #tpu.memory_space<vmem_shared>> -> memref<80x128xf32, #tpu.memory_space<vmem_shared>>
      %dma_wait3A_354 = arith.constant 0 : i32
      %dma_wait3A_355 = arith.constant 0 : i32
      %dma_wait3A_356 = tpu.memref_slice %arg6[%cond3A_135, %dma_wait3A_354, %dma_wait3A_355] : memref<3x80x128xf32, #tpu.memory_space<vmem>> -> memref<1x80x128xf32, #tpu.memory_space<vmem>>
      %dma_wait3A_357 = tpu.memref_squeeze %dma_wait3A_356 : memref<1x80x128xf32, #tpu.memory_space<vmem>> -> memref<80x128xf32, #tpu.memory_space<vmem>>
      tpu.wait_dma2 semaphore(%arg14 : memref<!tpu.dma_semaphore, #tpu.memory_space<semaphore_mem>>) src(%dma_wait3A_357 : memref<80x128xf32, #tpu.memory_space<vmem>>) dst(%dma_wait3A_353 : memref<80x128xf32, #tpu.memory_space<vmem_shared>>)
    } else {
    }
    %add3A_138 = arith.constant 64 : i32
    %add3A_139 = arith.addi %add3A_138, %arg1 : i32
    %lt3A_140 = arith.constant 125 : i32
    %lt3A_141 = arith.cmpi slt, %add3A_139, %lt3A_140 : i32
    %convert_element_type3A_142 = arith.extui %lt3A_141 : i1 to i32
    %cond3A_143 = arith.constant 2 : i32
    %cond3A_144 = arith.constant 0 : i32
    %cond3A_145 = arith.cmpi ne, %convert_element_type3A_142, %cond3A_144 : i32
    scf.if %cond3A_145 {
      %mul3A_344 = arith.constant 80 : i32
      %mul3A_345 = arith.muli %add3A_139, %mul3A_344 : i32
      %dma_wait3A_346 = arith.constant 0 : i32
      %dma_wait3A_347 = arith.constant 0 : i32
      %dma_wait3A_348 = tpu.memref_slice %arg6[%cond3A_143, %dma_wait3A_346, %dma_wait3A_347] : memref<3x80x128xf32, #tpu.memory_space<vmem>> -> memref<1x80x128xf32, #tpu.memory_space<vmem>>
      %dma_wait3A_349 = tpu.memref_squeeze %dma_wait3A_348 : memref<1x80x128xf32, #tpu.memory_space<vmem>> -> memref<80x128xf32, #tpu.memory_space<vmem>>
      %dma_wait3A_350 = arith.constant 0 : i32
      %dma_wait3A_351 = tpu.memref_slice %arg7[%mul3A_345, %dma_wait3A_350] : memref<10000x128xf32, #tpu.memory_space<vmem_shared>> -> memref<80x128xf32, #tpu.memory_space<vmem_shared>>
      %dma_wait3A_352 = arith.constant 0 : i32
      %dma_wait3A_353 = tpu.memref_slice %arg7[%mul3A_345, %dma_wait3A_352] : memref<10000x128xf32, #tpu.memory_space<vmem_shared>> -> memref<80x128xf32, #tpu.memory_space<vmem_shared>>
      %dma_wait3A_354 = arith.constant 0 : i32
      %dma_wait3A_355 = arith.constant 0 : i32
      %dma_wait3A_356 = tpu.memref_slice %arg6[%cond3A_143, %dma_wait3A_354, %dma_wait3A_355] : memref<3x80x128xf32, #tpu.memory_space<vmem>> -> memref<1x80x128xf32, #tpu.memory_space<vmem>>
      %dma_wait3A_357 = tpu.memref_squeeze %dma_wait3A_356 : memref<1x80x128xf32, #tpu.memory_space<vmem>> -> memref<80x128xf32, #tpu.memory_space<vmem>>
      tpu.wait_dma2 semaphore(%arg14 : memref<!tpu.dma_semaphore, #tpu.memory_space<semaphore_mem>>) src(%dma_wait3A_357 : memref<80x128xf32, #tpu.memory_space<vmem>>) dst(%dma_wait3A_353 : memref<80x128xf32, #tpu.memory_space<vmem_shared>>)
    } else {
    }
    %add3A_146 = arith.constant 80 : i32
    %add3A_147 = arith.addi %add3A_146, %arg1 : i32
    %lt3A_148 = arith.constant 125 : i32
    %lt3A_149 = arith.cmpi slt, %add3A_147, %lt3A_148 : i32
    %convert_element_type3A_150 = arith.extui %lt3A_149 : i1 to i32
    %cond3A_151 = arith.constant 2 : i32
    %cond3A_152 = arith.constant 0 : i32
    %cond3A_153 = arith.cmpi ne, %convert_element_type3A_150, %cond3A_152 : i32
    scf.if %cond3A_153 {
      %mul3A_344 = arith.constant 80 : i32
      %mul3A_345 = arith.muli %add3A_147, %mul3A_344 : i32
      %dma_wait3A_346 = arith.constant 0 : i32
      %dma_wait3A_347 = arith.constant 0 : i32
      %dma_wait3A_348 = tpu.memref_slice %arg6[%cond3A_151, %dma_wait3A_346, %dma_wait3A_347] : memref<3x80x128xf32, #tpu.memory_space<vmem>> -> memref<1x80x128xf32, #tpu.memory_space<vmem>>
      %dma_wait3A_349 = tpu.memref_squeeze %dma_wait3A_348 : memref<1x80x128xf32, #tpu.memory_space<vmem>> -> memref<80x128xf32, #tpu.memory_space<vmem>>
      %dma_wait3A_350 = arith.constant 0 : i32
      %dma_wait3A_351 = tpu.memref_slice %arg7[%mul3A_345, %dma_wait3A_350] : memref<10000x128xf32, #tpu.memory_space<vmem_shared>> -> memref<80x128xf32, #tpu.memory_space<vmem_shared>>
      %dma_wait3A_352 = arith.constant 0 : i32
      %dma_wait3A_353 = tpu.memref_slice %arg7[%mul3A_345, %dma_wait3A_352] : memref<10000x128xf32, #tpu.memory_space<vmem_shared>> -> memref<80x128xf32, #tpu.memory_space<vmem_shared>>
      %dma_wait3A_354 = arith.constant 0 : i32
      %dma_wait3A_355 = arith.constant 0 : i32
      %dma_wait3A_356 = tpu.memref_slice %arg6[%cond3A_151, %dma_wait3A_354, %dma_wait3A_355] : memref<3x80x128xf32, #tpu.memory_space<vmem>> -> memref<1x80x128xf32, #tpu.memory_space<vmem>>
      %dma_wait3A_357 = tpu.memref_squeeze %dma_wait3A_356 : memref<1x80x128xf32, #tpu.memory_space<vmem>> -> memref<80x128xf32, #tpu.memory_space<vmem>>
      tpu.wait_dma2 semaphore(%arg14 : memref<!tpu.dma_semaphore, #tpu.memory_space<semaphore_mem>>) src(%dma_wait3A_357 : memref<80x128xf32, #tpu.memory_space<vmem>>) dst(%dma_wait3A_353 : memref<80x128xf32, #tpu.memory_space<vmem_shared>>)
    } else {
    }
    %add3A_154 = arith.constant 96 : i32
    %add3A_155 = arith.addi %add3A_154, %arg1 : i32
    %lt3A_156 = arith.constant 125 : i32
    %lt3A_157 = arith.cmpi slt, %add3A_155, %lt3A_156 : i32
    %convert_element_type3A_158 = arith.extui %lt3A_157 : i1 to i32
    %cond3A_159 = arith.constant 2 : i32
    %cond3A_160 = arith.constant 0 : i32
    %cond3A_161 = arith.cmpi ne, %convert_element_type3A_158, %cond3A_160 : i32
    scf.if %cond3A_161 {
      %mul3A_344 = arith.constant 80 : i32
      %mul3A_345 = arith.muli %add3A_155, %mul3A_344 : i32
      %dma_wait3A_346 = arith.constant 0 : i32
      %dma_wait3A_347 = arith.constant 0 : i32
      %dma_wait3A_348 = tpu.memref_slice %arg6[%cond3A_159, %dma_wait3A_346, %dma_wait3A_347] : memref<3x80x128xf32, #tpu.memory_space<vmem>> -> memref<1x80x128xf32, #tpu.memory_space<vmem>>
      %dma_wait3A_349 = tpu.memref_squeeze %dma_wait3A_348 : memref<1x80x128xf32, #tpu.memory_space<vmem>> -> memref<80x128xf32, #tpu.memory_space<vmem>>
      %dma_wait3A_350 = arith.constant 0 : i32
      %dma_wait3A_351 = tpu.memref_slice %arg7[%mul3A_345, %dma_wait3A_350] : memref<10000x128xf32, #tpu.memory_space<vmem_shared>> -> memref<80x128xf32, #tpu.memory_space<vmem_shared>>
      %dma_wait3A_352 = arith.constant 0 : i32
      %dma_wait3A_353 = tpu.memref_slice %arg7[%mul3A_345, %dma_wait3A_352] : memref<10000x128xf32, #tpu.memory_space<vmem_shared>> -> memref<80x128xf32, #tpu.memory_space<vmem_shared>>
      %dma_wait3A_354 = arith.constant 0 : i32
      %dma_wait3A_355 = arith.constant 0 : i32
      %dma_wait3A_356 = tpu.memref_slice %arg6[%cond3A_159, %dma_wait3A_354, %dma_wait3A_355] : memref<3x80x128xf32, #tpu.memory_space<vmem>> -> memref<1x80x128xf32, #tpu.memory_space<vmem>>
      %dma_wait3A_357 = tpu.memref_squeeze %dma_wait3A_356 : memref<1x80x128xf32, #tpu.memory_space<vmem>> -> memref<80x128xf32, #tpu.memory_space<vmem>>
      tpu.wait_dma2 semaphore(%arg14 : memref<!tpu.dma_semaphore, #tpu.memory_space<semaphore_mem>>) src(%dma_wait3A_357 : memref<80x128xf32, #tpu.memory_space<vmem>>) dst(%dma_wait3A_353 : memref<80x128xf32, #tpu.memory_space<vmem_shared>>)
    } else {
    }
    %add3A_162 = arith.constant 112 : i32
    %add3A_163 = arith.addi %add3A_162, %arg1 : i32
    %lt3A_164 = arith.constant 125 : i32
    %lt3A_165 = arith.cmpi slt, %add3A_163, %lt3A_164 : i32
    %convert_element_type3A_166 = arith.extui %lt3A_165 : i1 to i32
    %cond3A_167 = arith.constant 2 : i32
    %cond3A_168 = arith.constant 0 : i32
    %cond3A_169 = arith.cmpi ne, %convert_element_type3A_166, %cond3A_168 : i32
    scf.if %cond3A_169 {
      %mul3A_344 = arith.constant 80 : i32
      %mul3A_345 = arith.muli %add3A_163, %mul3A_344 : i32
      %dma_wait3A_346 = arith.constant 0 : i32
      %dma_wait3A_347 = arith.constant 0 : i32
      %dma_wait3A_348 = tpu.memref_slice %arg6[%cond3A_167, %dma_wait3A_346, %dma_wait3A_347] : memref<3x80x128xf32, #tpu.memory_space<vmem>> -> memref<1x80x128xf32, #tpu.memory_space<vmem>>
      %dma_wait3A_349 = tpu.memref_squeeze %dma_wait3A_348 : memref<1x80x128xf32, #tpu.memory_space<vmem>> -> memref<80x128xf32, #tpu.memory_space<vmem>>
      %dma_wait3A_350 = arith.constant 0 : i32
      %dma_wait3A_351 = tpu.memref_slice %arg7[%mul3A_345, %dma_wait3A_350] : memref<10000x128xf32, #tpu.memory_space<vmem_shared>> -> memref<80x128xf32, #tpu.memory_space<vmem_shared>>
      %dma_wait3A_352 = arith.constant 0 : i32
      %dma_wait3A_353 = tpu.memref_slice %arg7[%mul3A_345, %dma_wait3A_352] : memref<10000x128xf32, #tpu.memory_space<vmem_shared>> -> memref<80x128xf32, #tpu.memory_space<vmem_shared>>
      %dma_wait3A_354 = arith.constant 0 : i32
      %dma_wait3A_355 = arith.constant 0 : i32
      %dma_wait3A_356 = tpu.memref_slice %arg6[%cond3A_167, %dma_wait3A_354, %dma_wait3A_355] : memref<3x80x128xf32, #tpu.memory_space<vmem>> -> memref<1x80x128xf32, #tpu.memory_space<vmem>>
      %dma_wait3A_357 = tpu.memref_squeeze %dma_wait3A_356 : memref<1x80x128xf32, #tpu.memory_space<vmem>> -> memref<80x128xf32, #tpu.memory_space<vmem>>
      tpu.wait_dma2 semaphore(%arg14 : memref<!tpu.dma_semaphore, #tpu.memory_space<semaphore_mem>>) src(%dma_wait3A_357 : memref<80x128xf32, #tpu.memory_space<vmem>>) dst(%dma_wait3A_353 : memref<80x128xf32, #tpu.memory_space<vmem_shared>>)
    } else {
    }
    %add3A_170 = arith.constant 160 : i32
    %add3A_171 = arith.addi %mul3A_2, %add3A_170 : i32
    %dma_start3A_172 = arith.constant 2 : i32
    %dma_start3A_173 = arith.constant 0 : i32
    %dma_start3A_174 = arith.constant 0 : i32
    %dma_start3A_175 = tpu.memref_slice %arg6[%dma_start3A_172, %dma_start3A_173, %dma_start3A_174] : memref<3x80x128xf32, #tpu.memory_space<vmem>> -> memref<1x80x128xf32, #tpu.memory_space<vmem>>
    %dma_start3A_176 = tpu.memref_squeeze %dma_start3A_175 : memref<1x80x128xf32, #tpu.memory_space<vmem>> -> memref<80x128xf32, #tpu.memory_space<vmem>>
    %dma_start3A_177 = arith.constant 0 : i32
    %dma_start3A_178 = tpu.memref_slice %arg2[%add3A_171, %dma_start3A_177] : memref<320000x128xf32, #tpu.memory_space<hbm>> -> memref<80x128xf32, #tpu.memory_space<hbm>>
    %dma_start3A_179 = arith.constant 0 : i32
    %dma_start3A_180 = arith.constant 0 : i32
    %dma_start3A_181 = tpu.memref_slice %arg6[%dma_start3A_172, %dma_start3A_179, %dma_start3A_180] : memref<3x80x128xf32, #tpu.memory_space<vmem>> -> memref<1x80x128xf32, #tpu.memory_space<vmem>>
    %dma_start3A_182 = tpu.memref_squeeze %dma_start3A_181 : memref<1x80x128xf32, #tpu.memory_space<vmem>> -> memref<80x128xf32, #tpu.memory_space<vmem>>
    %dma_start3A_183 = arith.constant 0 : i32
    %dma_start3A_184 = tpu.memref_slice %arg2[%add3A_171, %dma_start3A_183] : memref<320000x128xf32, #tpu.memory_space<hbm>> -> memref<80x128xf32, #tpu.memory_space<hbm>>
    tpu.enqueue_dma source(%dma_start3A_184 : memref<80x128xf32, #tpu.memory_space<hbm>>) target(%dma_start3A_182 : memref<80x128xf32, #tpu.memory_space<vmem>>) target_semaphore(%arg10 : memref<!tpu.dma_semaphore, #tpu.memory_space<semaphore_mem>>)
    %dma_wait3A = arith.constant 0 : i32
    %dma_wait3A_185 = arith.constant 0 : i32
    %dma_wait3A_186 = tpu.memref_slice %arg3[%add3A, %dma_wait3A, %dma_wait3A_185] : memref<32x125x80xi32, #tpu.memory_space<hbm>> -> memref<1x125x80xi32, #tpu.memory_space<hbm>>
    %dma_wait3A_187 = tpu.memref_squeeze %dma_wait3A_186 : memref<1x125x80xi32, #tpu.memory_space<hbm>> -> memref<125x80xi32, #tpu.memory_space<hbm>>
    %dma_wait3A_188 = arith.constant 0 : i32
    %dma_wait3A_189 = arith.constant 0 : i32
    %dma_wait3A_190 = tpu.memref_slice %arg3[%add3A, %dma_wait3A_188, %dma_wait3A_189] : memref<32x125x80xi32, #tpu.memory_space<hbm>> -> memref<1x125x80xi32, #tpu.memory_space<hbm>>
    %dma_wait3A_191 = tpu.memref_squeeze %dma_wait3A_190 : memref<1x125x80xi32, #tpu.memory_space<hbm>> -> memref<125x80xi32, #tpu.memory_space<hbm>>
    tpu.wait_dma2 semaphore(%arg15 : memref<!tpu.dma_semaphore, #tpu.memory_space<semaphore_mem>>) src(%dma_wait3A_191 : memref<125x80xi32, #tpu.memory_space<hbm>>) dst(%arg5 : memref<125x80xi32, #tpu.memory_space<vmem>>)
    %barrier3A = arith.constant 0 : index
    tpu.barrier barrier_id(%barrier3A)
    %scan3A_192 = arith.constant 0 : i32
    %scan3A_193 = arith.constant 0 : i32
    %scan3A_194 = arith.constant 41 : i32
    %scan3A_195 = arith.addi %scan3A_193, %scan3A_194 : i32
    %scan3A_196 = arith.constant 1 : i32
    scf.for %scan3A_344 = %scan3A_193 to %scan3A_195 step %scan3A_196  : i32 {
      %mul3A_345 = arith.constant 3 : i32
      %mul3A_346 = arith.muli %mul3A_345, %scan3A_344 : i32
      %add3A_347 = arith.constant 0 : i32
      %add3A_348 = arith.addi %mul3A_346, %add3A_347 : i32
      %mul3A_349 = arith.constant 80 : i32
      %mul3A_350 = arith.muli %add3A_348, %mul3A_349 : i32
      %add3A_351 = arith.addi %mul3A_2, %mul3A_350 : i32
      %dma_wait3A_352 = arith.constant 0 : i32
      %dma_wait3A_353 = arith.constant 0 : i32
      %dma_wait3A_354 = arith.constant 0 : i32
      %dma_wait3A_355 = tpu.memref_slice %arg6[%dma_wait3A_352, %dma_wait3A_353, %dma_wait3A_354] : memref<3x80x128xf32, #tpu.memory_space<vmem>> -> memref<1x80x128xf32, #tpu.memory_space<vmem>>
      %dma_wait3A_356 = tpu.memref_squeeze %dma_wait3A_355 : memref<1x80x128xf32, #tpu.memory_space<vmem>> -> memref<80x128xf32, #tpu.memory_space<vmem>>
      %dma_wait3A_357 = arith.constant 0 : i32
      %dma_wait3A_358 = tpu.memref_slice %arg2[%add3A_351, %dma_wait3A_357] : memref<320000x128xf32, #tpu.memory_space<hbm>> -> memref<80x128xf32, #tpu.memory_space<hbm>>
      %dma_wait3A_359 = arith.constant 0 : i32
      %dma_wait3A_360 = arith.constant 0 : i32
      %dma_wait3A_361 = tpu.memref_slice %arg6[%dma_wait3A_352, %dma_wait3A_359, %dma_wait3A_360] : memref<3x80x128xf32, #tpu.memory_space<vmem>> -> memref<1x80x128xf32, #tpu.memory_space<vmem>>
      %dma_wait3A_362 = tpu.memref_squeeze %dma_wait3A_361 : memref<1x80x128xf32, #tpu.memory_space<vmem>> -> memref<80x128xf32, #tpu.memory_space<vmem>>
      %dma_wait3A_363 = arith.constant 0 : i32
      %dma_wait3A_364 = tpu.memref_slice %arg2[%add3A_351, %dma_wait3A_363] : memref<320000x128xf32, #tpu.memory_space<hbm>> -> memref<80x128xf32, #tpu.memory_space<hbm>>
      tpu.wait_dma2 semaphore(%arg8 : memref<!tpu.dma_semaphore, #tpu.memory_space<semaphore_mem>>) src(%dma_wait3A_364 : memref<80x128xf32, #tpu.memory_space<hbm>>) dst(%dma_wait3A_362 : memref<80x128xf32, #tpu.memory_space<vmem>>)
      %add3A_365 = arith.constant 0 : i32
      %add3A_366 = arith.addi %mul3A_346, %add3A_365 : i32
      %dma_start3A_367 = arith.constant 0 : i32
      %dma_start3A_368 = arith.constant 0 : i32
      %dma_start3A_369 = arith.constant 0 : i32
      %dma_start3A_370 = tpu.memref_slice %arg6[%dma_start3A_367, %dma_start3A_368, %dma_start3A_369] : memref<3x80x128xf32, #tpu.memory_space<vmem>> -> memref<1x80x128xf32, #tpu.memory_space<vmem>>
      %dma_start3A_371 = tpu.memref_squeeze %dma_start3A_370 : memref<1x80x128xf32, #tpu.memory_space<vmem>> -> memref<80x128xf32, #tpu.memory_space<vmem>>
      %dma_start3A_372 = arith.constant 0 : i32
      %dma_start3A_373 = tpu.memref_slice %arg5[%add3A_366, %dma_start3A_372] : memref<125x80xi32, #tpu.memory_space<vmem>> -> memref<1x80xi32, #tpu.memory_space<vmem>>
      %dma_start3A_374 = tpu.memref_squeeze %dma_start3A_373 : memref<1x80xi32, #tpu.memory_space<vmem>> -> memref<80xi32, #tpu.memory_space<vmem>>
      %dma_start3A_375 = arith.constant 0 : i32
      %dma_start3A_376 = arith.constant 0 : i32
      %dma_start3A_377 = tpu.memref_slice %arg7[%dma_start3A_375, %dma_start3A_376] : memref<10000x128xf32, #tpu.memory_space<vmem_shared>> -> memref<10000x128xf32, #tpu.memory_space<vmem_shared>>
      tpu.enqueue_indirect_dma source(%dma_start3A_371 : memref<80x128xf32, #tpu.memory_space<vmem>>) target(%dma_start3A_377 : memref<10000x128xf32, #tpu.memory_space<vmem_shared>>) offsets(%dma_start3A_374 : memref<80xi32, #tpu.memory_space<vmem>>) semaphore(%arg11 : memref<!tpu.dma_semaphore, #tpu.memory_space<semaphore_mem>>) {add = true}
      %add3A_378 = arith.constant 1 : i32
      %add3A_379 = arith.addi %mul3A_346, %add3A_378 : i32
      %mul3A_380 = arith.constant 80 : i32
      %mul3A_381 = arith.muli %add3A_379, %mul3A_380 : i32
      %add3A_382 = arith.addi %mul3A_2, %mul3A_381 : i32
      %dma_wait3A_383 = arith.constant 1 : i32
      %dma_wait3A_384 = arith.constant 0 : i32
      %dma_wait3A_385 = arith.constant 0 : i32
      %dma_wait3A_386 = tpu.memref_slice %arg6[%dma_wait3A_383, %dma_wait3A_384, %dma_wait3A_385] : memref<3x80x128xf32, #tpu.memory_space<vmem>> -> memref<1x80x128xf32, #tpu.memory_space<vmem>>
      %dma_wait3A_387 = tpu.memref_squeeze %dma_wait3A_386 : memref<1x80x128xf32, #tpu.memory_space<vmem>> -> memref<80x128xf32, #tpu.memory_space<vmem>>
      %dma_wait3A_388 = arith.constant 0 : i32
      %dma_wait3A_389 = tpu.memref_slice %arg2[%add3A_382, %dma_wait3A_388] : memref<320000x128xf32, #tpu.memory_space<hbm>> -> memref<80x128xf32, #tpu.memory_space<hbm>>
      %dma_wait3A_390 = arith.constant 0 : i32
      %dma_wait3A_391 = arith.constant 0 : i32
      %dma_wait3A_392 = tpu.memref_slice %arg6[%dma_wait3A_383, %dma_wait3A_390, %dma_wait3A_391] : memref<3x80x128xf32, #tpu.memory_space<vmem>> -> memref<1x80x128xf32, #tpu.memory_space<vmem>>
      %dma_wait3A_393 = tpu.memref_squeeze %dma_wait3A_392 : memref<1x80x128xf32, #tpu.memory_space<vmem>> -> memref<80x128xf32, #tpu.memory_space<vmem>>
      %dma_wait3A_394 = arith.constant 0 : i32
      %dma_wait3A_395 = tpu.memref_slice %arg2[%add3A_382, %dma_wait3A_394] : memref<320000x128xf32, #tpu.memory_space<hbm>> -> memref<80x128xf32, #tpu.memory_space<hbm>>
      tpu.wait_dma2 semaphore(%arg9 : memref<!tpu.dma_semaphore, #tpu.memory_space<semaphore_mem>>) src(%dma_wait3A_395 : memref<80x128xf32, #tpu.memory_space<hbm>>) dst(%dma_wait3A_393 : memref<80x128xf32, #tpu.memory_space<vmem>>)
      %add3A_396 = arith.constant 1 : i32
      %add3A_397 = arith.addi %mul3A_346, %add3A_396 : i32
      %dma_start3A_398 = arith.constant 1 : i32
      %dma_start3A_399 = arith.constant 0 : i32
      %dma_start3A_400 = arith.constant 0 : i32
      %dma_start3A_401 = tpu.memref_slice %arg6[%dma_start3A_398, %dma_start3A_399, %dma_start3A_400] : memref<3x80x128xf32, #tpu.memory_space<vmem>> -> memref<1x80x128xf32, #tpu.memory_space<vmem>>
      %dma_start3A_402 = tpu.memref_squeeze %dma_start3A_401 : memref<1x80x128xf32, #tpu.memory_space<vmem>> -> memref<80x128xf32, #tpu.memory_space<vmem>>
      %dma_start3A_403 = arith.constant 0 : i32
      %dma_start3A_404 = tpu.memref_slice %arg5[%add3A_397, %dma_start3A_403] : memref<125x80xi32, #tpu.memory_space<vmem>> -> memref<1x80xi32, #tpu.memory_space<vmem>>
      %dma_start3A_405 = tpu.memref_squeeze %dma_start3A_404 : memref<1x80xi32, #tpu.memory_space<vmem>> -> memref<80xi32, #tpu.memory_space<vmem>>
      %dma_start3A_406 = arith.constant 0 : i32
      %dma_start3A_407 = arith.constant 0 : i32
      %dma_start3A_408 = tpu.memref_slice %arg7[%dma_start3A_406, %dma_start3A_407] : memref<10000x128xf32, #tpu.memory_space<vmem_shared>> -> memref<10000x128xf32, #tpu.memory_space<vmem_shared>>
      tpu.enqueue_indirect_dma source(%dma_start3A_402 : memref<80x128xf32, #tpu.memory_space<vmem>>) target(%dma_start3A_408 : memref<10000x128xf32, #tpu.memory_space<vmem_shared>>) offsets(%dma_start3A_405 : memref<80xi32, #tpu.memory_space<vmem>>) semaphore(%arg12 : memref<!tpu.dma_semaphore, #tpu.memory_space<semaphore_mem>>) {add = true}
      %add3A_409 = arith.constant 2 : i32
      %add3A_410 = arith.addi %mul3A_346, %add3A_409 : i32
      %mul3A_411 = arith.constant 80 : i32
      %mul3A_412 = arith.muli %add3A_410, %mul3A_411 : i32
      %add3A_413 = arith.addi %mul3A_2, %mul3A_412 : i32
      %dma_wait3A_414 = arith.constant 2 : i32
      %dma_wait3A_415 = arith.constant 0 : i32
      %dma_wait3A_416 = arith.constant 0 : i32
      %dma_wait3A_417 = tpu.memref_slice %arg6[%dma_wait3A_414, %dma_wait3A_415, %dma_wait3A_416] : memref<3x80x128xf32, #tpu.memory_space<vmem>> -> memref<1x80x128xf32, #tpu.memory_space<vmem>>
      %dma_wait3A_418 = tpu.memref_squeeze %dma_wait3A_417 : memref<1x80x128xf32, #tpu.memory_space<vmem>> -> memref<80x128xf32, #tpu.memory_space<vmem>>
      %dma_wait3A_419 = arith.constant 0 : i32
      %dma_wait3A_420 = tpu.memref_slice %arg2[%add3A_413, %dma_wait3A_419] : memref<320000x128xf32, #tpu.memory_space<hbm>> -> memref<80x128xf32, #tpu.memory_space<hbm>>
      %dma_wait3A_421 = arith.constant 0 : i32
      %dma_wait3A_422 = arith.constant 0 : i32
      %dma_wait3A_423 = tpu.memref_slice %arg6[%dma_wait3A_414, %dma_wait3A_421, %dma_wait3A_422] : memref<3x80x128xf32, #tpu.memory_space<vmem>> -> memref<1x80x128xf32, #tpu.memory_space<vmem>>
      %dma_wait3A_424 = tpu.memref_squeeze %dma_wait3A_423 : memref<1x80x128xf32, #tpu.memory_space<vmem>> -> memref<80x128xf32, #tpu.memory_space<vmem>>
      %dma_wait3A_425 = arith.constant 0 : i32
      %dma_wait3A_426 = tpu.memref_slice %arg2[%add3A_413, %dma_wait3A_425] : memref<320000x128xf32, #tpu.memory_space<hbm>> -> memref<80x128xf32, #tpu.memory_space<hbm>>
      tpu.wait_dma2 semaphore(%arg10 : memref<!tpu.dma_semaphore, #tpu.memory_space<semaphore_mem>>) src(%dma_wait3A_426 : memref<80x128xf32, #tpu.memory_space<hbm>>) dst(%dma_wait3A_424 : memref<80x128xf32, #tpu.memory_space<vmem>>)
      %add3A_427 = arith.constant 2 : i32
      %add3A_428 = arith.addi %mul3A_346, %add3A_427 : i32
      %dma_start3A_429 = arith.constant 2 : i32
      %dma_start3A_430 = arith.constant 0 : i32
      %dma_start3A_431 = arith.constant 0 : i32
      %dma_start3A_432 = tpu.memref_slice %arg6[%dma_start3A_429, %dma_start3A_430, %dma_start3A_431] : memref<3x80x128xf32, #tpu.memory_space<vmem>> -> memref<1x80x128xf32, #tpu.memory_space<vmem>>
      %dma_start3A_433 = tpu.memref_squeeze %dma_start3A_432 : memref<1x80x128xf32, #tpu.memory_space<vmem>> -> memref<80x128xf32, #tpu.memory_space<vmem>>
      %dma_start3A_434 = arith.constant 0 : i32
      %dma_start3A_435 = tpu.memref_slice %arg5[%add3A_428, %dma_start3A_434] : memref<125x80xi32, #tpu.memory_space<vmem>> -> memref<1x80xi32, #tpu.memory_space<vmem>>
      %dma_start3A_436 = tpu.memref_squeeze %dma_start3A_435 : memref<1x80xi32, #tpu.memory_space<vmem>> -> memref<80xi32, #tpu.memory_space<vmem>>
      %dma_start3A_437 = arith.constant 0 : i32
      %dma_start3A_438 = arith.constant 0 : i32
      %dma_start3A_439 = tpu.memref_slice %arg7[%dma_start3A_437, %dma_start3A_438] : memref<10000x128xf32, #tpu.memory_space<vmem_shared>> -> memref<10000x128xf32, #tpu.memory_space<vmem_shared>>
      tpu.enqueue_indirect_dma source(%dma_start3A_433 : memref<80x128xf32, #tpu.memory_space<vmem>>) target(%dma_start3A_439 : memref<10000x128xf32, #tpu.memory_space<vmem_shared>>) offsets(%dma_start3A_436 : memref<80xi32, #tpu.memory_space<vmem>>) semaphore(%arg13 : memref<!tpu.dma_semaphore, #tpu.memory_space<semaphore_mem>>) {add = true}
      %add3A_440 = arith.constant 3 : i32
      %add3A_441 = arith.addi %mul3A_346, %add3A_440 : i32
      %add3A_442 = arith.constant 0 : i32
      %add3A_443 = arith.addi %add3A_441, %add3A_442 : i32
      %add3A_444 = arith.constant 0 : i32
      %add3A_445 = arith.addi %mul3A_346, %add3A_444 : i32
      %dma_wait3A_446 = arith.constant 0 : i32
      %dma_wait3A_447 = arith.constant 0 : i32
      %dma_wait3A_448 = arith.constant 0 : i32
      %dma_wait3A_449 = tpu.memref_slice %arg6[%dma_wait3A_446, %dma_wait3A_447, %dma_wait3A_448] : memref<3x80x128xf32, #tpu.memory_space<vmem>> -> memref<1x80x128xf32, #tpu.memory_space<vmem>>
      %dma_wait3A_450 = tpu.memref_squeeze %dma_wait3A_449 : memref<1x80x128xf32, #tpu.memory_space<vmem>> -> memref<80x128xf32, #tpu.memory_space<vmem>>
      %dma_wait3A_451 = arith.constant 0 : i32
      %dma_wait3A_452 = tpu.memref_slice %arg5[%add3A_445, %dma_wait3A_451] : memref<125x80xi32, #tpu.memory_space<vmem>> -> memref<1x80xi32, #tpu.memory_space<vmem>>
      %dma_wait3A_453 = tpu.memref_squeeze %dma_wait3A_452 : memref<1x80xi32, #tpu.memory_space<vmem>> -> memref<80xi32, #tpu.memory_space<vmem>>
      %dma_wait3A_454 = arith.constant 0 : i32
      %dma_wait3A_455 = arith.constant 0 : i32
      %dma_wait3A_456 = tpu.memref_slice %arg7[%dma_wait3A_454, %dma_wait3A_455] : memref<10000x128xf32, #tpu.memory_space<vmem_shared>> -> memref<10000x128xf32, #tpu.memory_space<vmem_shared>>
      tpu.wait_indirect_dma semaphore(%arg11 : memref<!tpu.dma_semaphore, #tpu.memory_space<semaphore_mem>>) src(%dma_wait3A_450 : memref<80x128xf32, #tpu.memory_space<vmem>>) dst(%dma_wait3A_456 : memref<10000x128xf32, #tpu.memory_space<vmem_shared>>)
      %lt3A_457 = arith.constant 125 : i32
      %lt3A_458 = arith.cmpi slt, %add3A_443, %lt3A_457 : i32
      %convert_element_type3A_459 = arith.extui %lt3A_458 : i1 to i32
      %cond3A_460 = arith.constant 0 : i32
      %cond3A_461 = arith.cmpi ne, %convert_element_type3A_459, %cond3A_460 : i32
      scf.if %cond3A_461 {
        %mul3A_506 = arith.constant 80 : i32
        %mul3A_507 = arith.muli %add3A_443, %mul3A_506 : i32
        %add3A_508 = arith.addi %mul3A_2, %mul3A_507 : i32
        %dma_start3A_509 = arith.constant 0 : i32
        %dma_start3A_510 = arith.constant 0 : i32
        %dma_start3A_511 = arith.constant 0 : i32
        %dma_start3A_512 = tpu.memref_slice %arg6[%dma_start3A_509, %dma_start3A_510, %dma_start3A_511] : memref<3x80x128xf32, #tpu.memory_space<vmem>> -> memref<1x80x128xf32, #tpu.memory_space<vmem>>
        %dma_start3A_513 = tpu.memref_squeeze %dma_start3A_512 : memref<1x80x128xf32, #tpu.memory_space<vmem>> -> memref<80x128xf32, #tpu.memory_space<vmem>>
        %dma_start3A_514 = arith.constant 0 : i32
        %dma_start3A_515 = tpu.memref_slice %arg2[%add3A_508, %dma_start3A_514] : memref<320000x128xf32, #tpu.memory_space<hbm>> -> memref<80x128xf32, #tpu.memory_space<hbm>>
        %dma_start3A_516 = arith.constant 0 : i32
        %dma_start3A_517 = arith.constant 0 : i32
        %dma_start3A_518 = tpu.memref_slice %arg6[%dma_start3A_509, %dma_start3A_516, %dma_start3A_517] : memref<3x80x128xf32, #tpu.memory_space<vmem>> -> memref<1x80x128xf32, #tpu.memory_space<vmem>>
        %dma_start3A_519 = tpu.memref_squeeze %dma_start3A_518 : memref<1x80x128xf32, #tpu.memory_space<vmem>> -> memref<80x128xf32, #tpu.memory_space<vmem>>
        %dma_start3A_520 = arith.constant 0 : i32
        %dma_start3A_521 = tpu.memref_slice %arg2[%add3A_508, %dma_start3A_520] : memref<320000x128xf32, #tpu.memory_space<hbm>> -> memref<80x128xf32, #tpu.memory_space<hbm>>
        tpu.enqueue_dma source(%dma_start3A_521 : memref<80x128xf32, #tpu.memory_space<hbm>>) target(%dma_start3A_519 : memref<80x128xf32, #tpu.memory_space<vmem>>) target_semaphore(%arg8 : memref<!tpu.dma_semaphore, #tpu.memory_space<semaphore_mem>>)
      } else {
      }
      %add3A_462 = arith.constant 3 : i32
      %add3A_463 = arith.addi %mul3A_346, %add3A_462 : i32
      %add3A_464 = arith.constant 1 : i32
      %add3A_465 = arith.addi %add3A_463, %add3A_464 : i32
      %add3A_466 = arith.constant 1 : i32
      %add3A_467 = arith.addi %mul3A_346, %add3A_466 : i32
      %dma_wait3A_468 = arith.constant 1 : i32
      %dma_wait3A_469 = arith.constant 0 : i32
      %dma_wait3A_470 = arith.constant 0 : i32
      %dma_wait3A_471 = tpu.memref_slice %arg6[%dma_wait3A_468, %dma_wait3A_469, %dma_wait3A_470] : memref<3x80x128xf32, #tpu.memory_space<vmem>> -> memref<1x80x128xf32, #tpu.memory_space<vmem>>
      %dma_wait3A_472 = tpu.memref_squeeze %dma_wait3A_471 : memref<1x80x128xf32, #tpu.memory_space<vmem>> -> memref<80x128xf32, #tpu.memory_space<vmem>>
      %dma_wait3A_473 = arith.constant 0 : i32
      %dma_wait3A_474 = tpu.memref_slice %arg5[%add3A_467, %dma_wait3A_473] : memref<125x80xi32, #tpu.memory_space<vmem>> -> memref<1x80xi32, #tpu.memory_space<vmem>>
      %dma_wait3A_475 = tpu.memref_squeeze %dma_wait3A_474 : memref<1x80xi32, #tpu.memory_space<vmem>> -> memref<80xi32, #tpu.memory_space<vmem>>
      %dma_wait3A_476 = arith.constant 0 : i32
      %dma_wait3A_477 = arith.constant 0 : i32
      %dma_wait3A_478 = tpu.memref_slice %arg7[%dma_wait3A_476, %dma_wait3A_477] : memref<10000x128xf32, #tpu.memory_space<vmem_shared>> -> memref<10000x128xf32, #tpu.memory_space<vmem_shared>>
      tpu.wait_indirect_dma semaphore(%arg12 : memref<!tpu.dma_semaphore, #tpu.memory_space<semaphore_mem>>) src(%dma_wait3A_472 : memref<80x128xf32, #tpu.memory_space<vmem>>) dst(%dma_wait3A_478 : memref<10000x128xf32, #tpu.memory_space<vmem_shared>>)
      %lt3A_479 = arith.constant 125 : i32
      %lt3A_480 = arith.cmpi slt, %add3A_465, %lt3A_479 : i32
      %convert_element_type3A_481 = arith.extui %lt3A_480 : i1 to i32
      %cond3A_482 = arith.constant 0 : i32
      %cond3A_483 = arith.cmpi ne, %convert_element_type3A_481, %cond3A_482 : i32
      scf.if %cond3A_483 {
        %mul3A_506 = arith.constant 80 : i32
        %mul3A_507 = arith.muli %add3A_465, %mul3A_506 : i32
        %add3A_508 = arith.addi %mul3A_2, %mul3A_507 : i32
        %dma_start3A_509 = arith.constant 1 : i32
        %dma_start3A_510 = arith.constant 0 : i32
        %dma_start3A_511 = arith.constant 0 : i32
        %dma_start3A_512 = tpu.memref_slice %arg6[%dma_start3A_509, %dma_start3A_510, %dma_start3A_511] : memref<3x80x128xf32, #tpu.memory_space<vmem>> -> memref<1x80x128xf32, #tpu.memory_space<vmem>>
        %dma_start3A_513 = tpu.memref_squeeze %dma_start3A_512 : memref<1x80x128xf32, #tpu.memory_space<vmem>> -> memref<80x128xf32, #tpu.memory_space<vmem>>
        %dma_start3A_514 = arith.constant 0 : i32
        %dma_start3A_515 = tpu.memref_slice %arg2[%add3A_508, %dma_start3A_514] : memref<320000x128xf32, #tpu.memory_space<hbm>> -> memref<80x128xf32, #tpu.memory_space<hbm>>
        %dma_start3A_516 = arith.constant 0 : i32
        %dma_start3A_517 = arith.constant 0 : i32
        %dma_start3A_518 = tpu.memref_slice %arg6[%dma_start3A_509, %dma_start3A_516, %dma_start3A_517] : memref<3x80x128xf32, #tpu.memory_space<vmem>> -> memref<1x80x128xf32, #tpu.memory_space<vmem>>
        %dma_start3A_519 = tpu.memref_squeeze %dma_start3A_518 : memref<1x80x128xf32, #tpu.memory_space<vmem>> -> memref<80x128xf32, #tpu.memory_space<vmem>>
        %dma_start3A_520 = arith.constant 0 : i32
        %dma_start3A_521 = tpu.memref_slice %arg2[%add3A_508, %dma_start3A_520] : memref<320000x128xf32, #tpu.memory_space<hbm>> -> memref<80x128xf32, #tpu.memory_space<hbm>>
        tpu.enqueue_dma source(%dma_start3A_521 : memref<80x128xf32, #tpu.memory_space<hbm>>) target(%dma_start3A_519 : memref<80x128xf32, #tpu.memory_space<vmem>>) target_semaphore(%arg9 : memref<!tpu.dma_semaphore, #tpu.memory_space<semaphore_mem>>)
      } else {
      }
      %add3A_484 = arith.constant 3 : i32
      %add3A_485 = arith.addi %mul3A_346, %add3A_484 : i32
      %add3A_486 = arith.constant 2 : i32
      %add3A_487 = arith.addi %add3A_485, %add3A_486 : i32
      %add3A_488 = arith.constant 2 : i32
      %add3A_489 = arith.addi %mul3A_346, %add3A_488 : i32
      %dma_wait3A_490 = arith.constant 2 : i32
      %dma_wait3A_491 = arith.constant 0 : i32
      %dma_wait3A_492 = arith.constant 0 : i32
      %dma_wait3A_493 = tpu.memref_slice %arg6[%dma_wait3A_490, %dma_wait3A_491, %dma_wait3A_492] : memref<3x80x128xf32, #tpu.memory_space<vmem>> -> memref<1x80x128xf32, #tpu.memory_space<vmem>>
      %dma_wait3A_494 = tpu.memref_squeeze %dma_wait3A_493 : memref<1x80x128xf32, #tpu.memory_space<vmem>> -> memref<80x128xf32, #tpu.memory_space<vmem>>
      %dma_wait3A_495 = arith.constant 0 : i32
      %dma_wait3A_496 = tpu.memref_slice %arg5[%add3A_489, %dma_wait3A_495] : memref<125x80xi32, #tpu.memory_space<vmem>> -> memref<1x80xi32, #tpu.memory_space<vmem>>
      %dma_wait3A_497 = tpu.memref_squeeze %dma_wait3A_496 : memref<1x80xi32, #tpu.memory_space<vmem>> -> memref<80xi32, #tpu.memory_space<vmem>>
      %dma_wait3A_498 = arith.constant 0 : i32
      %dma_wait3A_499 = arith.constant 0 : i32
      %dma_wait3A_500 = tpu.memref_slice %arg7[%dma_wait3A_498, %dma_wait3A_499] : memref<10000x128xf32, #tpu.memory_space<vmem_shared>> -> memref<10000x128xf32, #tpu.memory_space<vmem_shared>>
      tpu.wait_indirect_dma semaphore(%arg13 : memref<!tpu.dma_semaphore, #tpu.memory_space<semaphore_mem>>) src(%dma_wait3A_494 : memref<80x128xf32, #tpu.memory_space<vmem>>) dst(%dma_wait3A_500 : memref<10000x128xf32, #tpu.memory_space<vmem_shared>>)
      %lt3A_501 = arith.constant 125 : i32
      %lt3A_502 = arith.cmpi slt, %add3A_487, %lt3A_501 : i32
      %convert_element_type3A_503 = arith.extui %lt3A_502 : i1 to i32
      %cond3A_504 = arith.constant 0 : i32
      %cond3A_505 = arith.cmpi ne, %convert_element_type3A_503, %cond3A_504 : i32
      scf.if %cond3A_505 {
        %mul3A_506 = arith.constant 80 : i32
        %mul3A_507 = arith.muli %add3A_487, %mul3A_506 : i32
        %add3A_508 = arith.addi %mul3A_2, %mul3A_507 : i32
        %dma_start3A_509 = arith.constant 2 : i32
        %dma_start3A_510 = arith.constant 0 : i32
        %dma_start3A_511 = arith.constant 0 : i32
        %dma_start3A_512 = tpu.memref_slice %arg6[%dma_start3A_509, %dma_start3A_510, %dma_start3A_511] : memref<3x80x128xf32, #tpu.memory_space<vmem>> -> memref<1x80x128xf32, #tpu.memory_space<vmem>>
        %dma_start3A_513 = tpu.memref_squeeze %dma_start3A_512 : memref<1x80x128xf32, #tpu.memory_space<vmem>> -> memref<80x128xf32, #tpu.memory_space<vmem>>
        %dma_start3A_514 = arith.constant 0 : i32
        %dma_start3A_515 = tpu.memref_slice %arg2[%add3A_508, %dma_start3A_514] : memref<320000x128xf32, #tpu.memory_space<hbm>> -> memref<80x128xf32, #tpu.memory_space<hbm>>
        %dma_start3A_516 = arith.constant 0 : i32
        %dma_start3A_517 = arith.constant 0 : i32
        %dma_start3A_518 = tpu.memref_slice %arg6[%dma_start3A_509, %dma_start3A_516, %dma_start3A_517] : memref<3x80x128xf32, #tpu.memory_space<vmem>> -> memref<1x80x128xf32, #tpu.memory_space<vmem>>
        %dma_start3A_519 = tpu.memref_squeeze %dma_start3A_518 : memref<1x80x128xf32, #tpu.memory_space<vmem>> -> memref<80x128xf32, #tpu.memory_space<vmem>>
        %dma_start3A_520 = arith.constant 0 : i32
        %dma_start3A_521 = tpu.memref_slice %arg2[%add3A_508, %dma_start3A_520] : memref<320000x128xf32, #tpu.memory_space<hbm>> -> memref<80x128xf32, #tpu.memory_space<hbm>>
        tpu.enqueue_dma source(%dma_start3A_521 : memref<80x128xf32, #tpu.memory_space<hbm>>) target(%dma_start3A_519 : memref<80x128xf32, #tpu.memory_space<vmem>>) target_semaphore(%arg10 : memref<!tpu.dma_semaphore, #tpu.memory_space<semaphore_mem>>)
      } else {
      }
    }
    %scan3A_197 = arith.constant 41 : i32
    %add3A_198 = arith.constant 9840 : i32
    %add3A_199 = arith.addi %mul3A_2, %add3A_198 : i32
    %dma_wait3A_200 = arith.constant 0 : i32
    %dma_wait3A_201 = arith.constant 0 : i32
    %dma_wait3A_202 = arith.constant 0 : i32
    %dma_wait3A_203 = tpu.memref_slice %arg6[%dma_wait3A_200, %dma_wait3A_201, %dma_wait3A_202] : memref<3x80x128xf32, #tpu.memory_space<vmem>> -> memref<1x80x128xf32, #tpu.memory_space<vmem>>
    %dma_wait3A_204 = tpu.memref_squeeze %dma_wait3A_203 : memref<1x80x128xf32, #tpu.memory_space<vmem>> -> memref<80x128xf32, #tpu.memory_space<vmem>>
    %dma_wait3A_205 = arith.constant 0 : i32
    %dma_wait3A_206 = tpu.memref_slice %arg2[%add3A_199, %dma_wait3A_205] : memref<320000x128xf32, #tpu.memory_space<hbm>> -> memref<80x128xf32, #tpu.memory_space<hbm>>
    %dma_wait3A_207 = arith.constant 0 : i32
    %dma_wait3A_208 = arith.constant 0 : i32
    %dma_wait3A_209 = tpu.memref_slice %arg6[%dma_wait3A_200, %dma_wait3A_207, %dma_wait3A_208] : memref<3x80x128xf32, #tpu.memory_space<vmem>> -> memref<1x80x128xf32, #tpu.memory_space<vmem>>
    %dma_wait3A_210 = tpu.memref_squeeze %dma_wait3A_209 : memref<1x80x128xf32, #tpu.memory_space<vmem>> -> memref<80x128xf32, #tpu.memory_space<vmem>>
    %dma_wait3A_211 = arith.constant 0 : i32
    %dma_wait3A_212 = tpu.memref_slice %arg2[%add3A_199, %dma_wait3A_211] : memref<320000x128xf32, #tpu.memory_space<hbm>> -> memref<80x128xf32, #tpu.memory_space<hbm>>
    tpu.wait_dma2 semaphore(%arg8 : memref<!tpu.dma_semaphore, #tpu.memory_space<semaphore_mem>>) src(%dma_wait3A_212 : memref<80x128xf32, #tpu.memory_space<hbm>>) dst(%dma_wait3A_210 : memref<80x128xf32, #tpu.memory_space<vmem>>)
    %run_scoped3A = arith.constant 0 : i32
    %run_scoped3A_213 = arith.constant 123 : i32
    "tpu.region"() ({
      %run_scoped3A_344 = tpu.sem_alloc : memref<!tpu.dma_semaphore, #tpu.memory_space<semaphore_mem>>
      %dma_start3A_345 = arith.constant 0 : i32
      %dma_start3A_346 = arith.constant 0 : i32
      %dma_start3A_347 = tpu.memref_slice %arg6[%run_scoped3A, %dma_start3A_345, %dma_start3A_346] : memref<3x80x128xf32, #tpu.memory_space<vmem>> -> memref<1x80x128xf32, #tpu.memory_space<vmem>>
      %dma_start3A_348 = tpu.memref_squeeze %dma_start3A_347 : memref<1x80x128xf32, #tpu.memory_space<vmem>> -> memref<80x128xf32, #tpu.memory_space<vmem>>
      %dma_start3A_349 = arith.constant 0 : i32
      %dma_start3A_350 = tpu.memref_slice %arg5[%run_scoped3A_213, %dma_start3A_349] : memref<125x80xi32, #tpu.memory_space<vmem>> -> memref<1x80xi32, #tpu.memory_space<vmem>>
      %dma_start3A_351 = tpu.memref_squeeze %dma_start3A_350 : memref<1x80xi32, #tpu.memory_space<vmem>> -> memref<80xi32, #tpu.memory_space<vmem>>
      %dma_start3A_352 = arith.constant 0 : i32
      %dma_start3A_353 = arith.constant 0 : i32
      %dma_start3A_354 = tpu.memref_slice %arg7[%dma_start3A_352, %dma_start3A_353] : memref<10000x128xf32, #tpu.memory_space<vmem_shared>> -> memref<10000x128xf32, #tpu.memory_space<vmem_shared>>
      tpu.enqueue_indirect_dma source(%dma_start3A_348 : memref<80x128xf32, #tpu.memory_space<vmem>>) target(%dma_start3A_354 : memref<10000x128xf32, #tpu.memory_space<vmem_shared>>) offsets(%dma_start3A_351 : memref<80xi32, #tpu.memory_space<vmem>>) semaphore(%run_scoped3A_344 : memref<!tpu.dma_semaphore, #tpu.memory_space<semaphore_mem>>) {add = true}
      %dma_wait3A_355 = arith.constant 0 : i32
      %dma_wait3A_356 = arith.constant 0 : i32
      %dma_wait3A_357 = tpu.memref_slice %arg6[%run_scoped3A, %dma_wait3A_355, %dma_wait3A_356] : memref<3x80x128xf32, #tpu.memory_space<vmem>> -> memref<1x80x128xf32, #tpu.memory_space<vmem>>
      %dma_wait3A_358 = tpu.memref_squeeze %dma_wait3A_357 : memref<1x80x128xf32, #tpu.memory_space<vmem>> -> memref<80x128xf32, #tpu.memory_space<vmem>>
      %dma_wait3A_359 = arith.constant 0 : i32
      %dma_wait3A_360 = tpu.memref_slice %arg5[%run_scoped3A_213, %dma_wait3A_359] : memref<125x80xi32, #tpu.memory_space<vmem>> -> memref<1x80xi32, #tpu.memory_space<vmem>>
      %dma_wait3A_361 = tpu.memref_squeeze %dma_wait3A_360 : memref<1x80xi32, #tpu.memory_space<vmem>> -> memref<80xi32, #tpu.memory_space<vmem>>
      %dma_wait3A_362 = arith.constant 0 : i32
      %dma_wait3A_363 = arith.constant 0 : i32
      %dma_wait3A_364 = tpu.memref_slice %arg7[%dma_wait3A_362, %dma_wait3A_363] : memref<10000x128xf32, #tpu.memory_space<vmem_shared>> -> memref<10000x128xf32, #tpu.memory_space<vmem_shared>>
      tpu.wait_indirect_dma semaphore(%run_scoped3A_344 : memref<!tpu.dma_semaphore, #tpu.memory_space<semaphore_mem>>) src(%dma_wait3A_358 : memref<80x128xf32, #tpu.memory_space<vmem>>) dst(%dma_wait3A_364 : memref<10000x128xf32, #tpu.memory_space<vmem_shared>>)
      tpu.yield
    }) : () -> ()
    %add3A_214 = arith.constant 9920 : i32
    %add3A_215 = arith.addi %mul3A_2, %add3A_214 : i32
    %dma_wait3A_216 = arith.constant 1 : i32
    %dma_wait3A_217 = arith.constant 0 : i32
    %dma_wait3A_218 = arith.constant 0 : i32
    %dma_wait3A_219 = tpu.memref_slice %arg6[%dma_wait3A_216, %dma_wait3A_217, %dma_wait3A_218] : memref<3x80x128xf32, #tpu.memory_space<vmem>> -> memref<1x80x128xf32, #tpu.memory_space<vmem>>
    %dma_wait3A_220 = tpu.memref_squeeze %dma_wait3A_219 : memref<1x80x128xf32, #tpu.memory_space<vmem>> -> memref<80x128xf32, #tpu.memory_space<vmem>>
    %dma_wait3A_221 = arith.constant 0 : i32
    %dma_wait3A_222 = tpu.memref_slice %arg2[%add3A_215, %dma_wait3A_221] : memref<320000x128xf32, #tpu.memory_space<hbm>> -> memref<80x128xf32, #tpu.memory_space<hbm>>
    %dma_wait3A_223 = arith.constant 0 : i32
    %dma_wait3A_224 = arith.constant 0 : i32
    %dma_wait3A_225 = tpu.memref_slice %arg6[%dma_wait3A_216, %dma_wait3A_223, %dma_wait3A_224] : memref<3x80x128xf32, #tpu.memory_space<vmem>> -> memref<1x80x128xf32, #tpu.memory_space<vmem>>
    %dma_wait3A_226 = tpu.memref_squeeze %dma_wait3A_225 : memref<1x80x128xf32, #tpu.memory_space<vmem>> -> memref<80x128xf32, #tpu.memory_space<vmem>>
    %dma_wait3A_227 = arith.constant 0 : i32
    %dma_wait3A_228 = tpu.memref_slice %arg2[%add3A_215, %dma_wait3A_227] : memref<320000x128xf32, #tpu.memory_space<hbm>> -> memref<80x128xf32, #tpu.memory_space<hbm>>
    tpu.wait_dma2 semaphore(%arg9 : memref<!tpu.dma_semaphore, #tpu.memory_space<semaphore_mem>>) src(%dma_wait3A_228 : memref<80x128xf32, #tpu.memory_space<hbm>>) dst(%dma_wait3A_226 : memref<80x128xf32, #tpu.memory_space<vmem>>)
    %run_scoped3A_229 = arith.constant 1 : i32
    %run_scoped3A_230 = arith.constant 124 : i32
    "tpu.region"() ({
      %run_scoped3A_344 = tpu.sem_alloc : memref<!tpu.dma_semaphore, #tpu.memory_space<semaphore_mem>>
      %dma_start3A_345 = arith.constant 0 : i32
      %dma_start3A_346 = arith.constant 0 : i32
      %dma_start3A_347 = tpu.memref_slice %arg6[%run_scoped3A_229, %dma_start3A_345, %dma_start3A_346] : memref<3x80x128xf32, #tpu.memory_space<vmem>> -> memref<1x80x128xf32, #tpu.memory_space<vmem>>
      %dma_start3A_348 = tpu.memref_squeeze %dma_start3A_347 : memref<1x80x128xf32, #tpu.memory_space<vmem>> -> memref<80x128xf32, #tpu.memory_space<vmem>>
      %dma_start3A_349 = arith.constant 0 : i32
      %dma_start3A_350 = tpu.memref_slice %arg5[%run_scoped3A_230, %dma_start3A_349] : memref<125x80xi32, #tpu.memory_space<vmem>> -> memref<1x80xi32, #tpu.memory_space<vmem>>
      %dma_start3A_351 = tpu.memref_squeeze %dma_start3A_350 : memref<1x80xi32, #tpu.memory_space<vmem>> -> memref<80xi32, #tpu.memory_space<vmem>>
      %dma_start3A_352 = arith.constant 0 : i32
      %dma_start3A_353 = arith.constant 0 : i32
      %dma_start3A_354 = tpu.memref_slice %arg7[%dma_start3A_352, %dma_start3A_353] : memref<10000x128xf32, #tpu.memory_space<vmem_shared>> -> memref<10000x128xf32, #tpu.memory_space<vmem_shared>>
      tpu.enqueue_indirect_dma source(%dma_start3A_348 : memref<80x128xf32, #tpu.memory_space<vmem>>) target(%dma_start3A_354 : memref<10000x128xf32, #tpu.memory_space<vmem_shared>>) offsets(%dma_start3A_351 : memref<80xi32, #tpu.memory_space<vmem>>) semaphore(%run_scoped3A_344 : memref<!tpu.dma_semaphore, #tpu.memory_space<semaphore_mem>>) {add = true}
      %dma_wait3A_355 = arith.constant 0 : i32
      %dma_wait3A_356 = arith.constant 0 : i32
      %dma_wait3A_357 = tpu.memref_slice %arg6[%run_scoped3A_229, %dma_wait3A_355, %dma_wait3A_356] : memref<3x80x128xf32, #tpu.memory_space<vmem>> -> memref<1x80x128xf32, #tpu.memory_space<vmem>>
      %dma_wait3A_358 = tpu.memref_squeeze %dma_wait3A_357 : memref<1x80x128xf32, #tpu.memory_space<vmem>> -> memref<80x128xf32, #tpu.memory_space<vmem>>
      %dma_wait3A_359 = arith.constant 0 : i32
      %dma_wait3A_360 = tpu.memref_slice %arg5[%run_scoped3A_230, %dma_wait3A_359] : memref<125x80xi32, #tpu.memory_space<vmem>> -> memref<1x80xi32, #tpu.memory_space<vmem>>
      %dma_wait3A_361 = tpu.memref_squeeze %dma_wait3A_360 : memref<1x80xi32, #tpu.memory_space<vmem>> -> memref<80xi32, #tpu.memory_space<vmem>>
      %dma_wait3A_362 = arith.constant 0 : i32
      %dma_wait3A_363 = arith.constant 0 : i32
      %dma_wait3A_364 = tpu.memref_slice %arg7[%dma_wait3A_362, %dma_wait3A_363] : memref<10000x128xf32, #tpu.memory_space<vmem_shared>> -> memref<10000x128xf32, #tpu.memory_space<vmem_shared>>
      tpu.wait_indirect_dma semaphore(%run_scoped3A_344 : memref<!tpu.dma_semaphore, #tpu.memory_space<semaphore_mem>>) src(%dma_wait3A_358 : memref<80x128xf32, #tpu.memory_space<vmem>>) dst(%dma_wait3A_364 : memref<10000x128xf32, #tpu.memory_space<vmem_shared>>)
      tpu.yield
    }) : () -> ()
    %barrier3A_231 = arith.constant 0 : index
    tpu.barrier barrier_id(%barrier3A_231)
    %add3A_232 = arith.constant 0 : i32
    %add3A_233 = arith.addi %add3A_232, %arg1 : i32
    %lt3A_234 = arith.constant 125 : i32
    %lt3A_235 = arith.cmpi slt, %add3A_233, %lt3A_234 : i32
    %convert_element_type3A_236 = arith.extui %lt3A_235 : i1 to i32
    %cond3A_237 = arith.constant 0 : i32
    %cond3A_238 = arith.cmpi ne, %convert_element_type3A_236, %cond3A_237 : i32
    scf.if %cond3A_238 {
      %mul3A_344 = arith.constant 80 : i32
      %mul3A_345 = arith.muli %add3A_233, %mul3A_344 : i32
      %mul3A_346 = arith.constant 10000 : i32
      %mul3A_347 = arith.muli %arg0, %mul3A_346 : i32
      %mul3A_348 = arith.constant 80 : i32
      %mul3A_349 = arith.muli %add3A_233, %mul3A_348 : i32
      %add3A_350 = arith.addi %mul3A_347, %mul3A_349 : i32
      %dma_start3A_351 = arith.constant 0 : i32
      %dma_start3A_352 = tpu.memref_slice %arg4[%add3A_350, %dma_start3A_351] : memref<20000x128xf32, #tpu.memory_space<hbm>> -> memref<80x128xf32, #tpu.memory_space<hbm>>
      %dma_start3A_353 = arith.constant 0 : i32
      %dma_start3A_354 = tpu.memref_slice %arg7[%mul3A_345, %dma_start3A_353] : memref<10000x128xf32, #tpu.memory_space<vmem_shared>> -> memref<80x128xf32, #tpu.memory_space<vmem_shared>>
      tpu.enqueue_dma source(%dma_start3A_354 : memref<80x128xf32, #tpu.memory_space<vmem_shared>>) target(%dma_start3A_352 : memref<80x128xf32, #tpu.memory_space<hbm>>) target_semaphore(%arg14 : memref<!tpu.dma_semaphore, #tpu.memory_space<semaphore_mem>>)
    } else {
    }
    %add3A_239 = arith.constant 16 : i32
    %add3A_240 = arith.addi %add3A_239, %arg1 : i32
    %lt3A_241 = arith.constant 125 : i32
    %lt3A_242 = arith.cmpi slt, %add3A_240, %lt3A_241 : i32
    %convert_element_type3A_243 = arith.extui %lt3A_242 : i1 to i32
    %cond3A_244 = arith.constant 0 : i32
    %cond3A_245 = arith.cmpi ne, %convert_element_type3A_243, %cond3A_244 : i32
    scf.if %cond3A_245 {
      %mul3A_344 = arith.constant 80 : i32
      %mul3A_345 = arith.muli %add3A_240, %mul3A_344 : i32
      %mul3A_346 = arith.constant 10000 : i32
      %mul3A_347 = arith.muli %arg0, %mul3A_346 : i32
      %mul3A_348 = arith.constant 80 : i32
      %mul3A_349 = arith.muli %add3A_240, %mul3A_348 : i32
      %add3A_350 = arith.addi %mul3A_347, %mul3A_349 : i32
      %dma_start3A_351 = arith.constant 0 : i32
      %dma_start3A_352 = tpu.memref_slice %arg4[%add3A_350, %dma_start3A_351] : memref<20000x128xf32, #tpu.memory_space<hbm>> -> memref<80x128xf32, #tpu.memory_space<hbm>>
      %dma_start3A_353 = arith.constant 0 : i32
      %dma_start3A_354 = tpu.memref_slice %arg7[%mul3A_345, %dma_start3A_353] : memref<10000x128xf32, #tpu.memory_space<vmem_shared>> -> memref<80x128xf32, #tpu.memory_space<vmem_shared>>
      tpu.enqueue_dma source(%dma_start3A_354 : memref<80x128xf32, #tpu.memory_space<vmem_shared>>) target(%dma_start3A_352 : memref<80x128xf32, #tpu.memory_space<hbm>>) target_semaphore(%arg14 : memref<!tpu.dma_semaphore, #tpu.memory_space<semaphore_mem>>)
    } else {
    }
    %add3A_246 = arith.constant 32 : i32
    %add3A_247 = arith.addi %add3A_246, %arg1 : i32
    %lt3A_248 = arith.constant 125 : i32
    %lt3A_249 = arith.cmpi slt, %add3A_247, %lt3A_248 : i32
    %convert_element_type3A_250 = arith.extui %lt3A_249 : i1 to i32
    %cond3A_251 = arith.constant 0 : i32
    %cond3A_252 = arith.cmpi ne, %convert_element_type3A_250, %cond3A_251 : i32
    scf.if %cond3A_252 {
      %mul3A_344 = arith.constant 80 : i32
      %mul3A_345 = arith.muli %add3A_247, %mul3A_344 : i32
      %mul3A_346 = arith.constant 10000 : i32
      %mul3A_347 = arith.muli %arg0, %mul3A_346 : i32
      %mul3A_348 = arith.constant 80 : i32
      %mul3A_349 = arith.muli %add3A_247, %mul3A_348 : i32
      %add3A_350 = arith.addi %mul3A_347, %mul3A_349 : i32
      %dma_start3A_351 = arith.constant 0 : i32
      %dma_start3A_352 = tpu.memref_slice %arg4[%add3A_350, %dma_start3A_351] : memref<20000x128xf32, #tpu.memory_space<hbm>> -> memref<80x128xf32, #tpu.memory_space<hbm>>
      %dma_start3A_353 = arith.constant 0 : i32
      %dma_start3A_354 = tpu.memref_slice %arg7[%mul3A_345, %dma_start3A_353] : memref<10000x128xf32, #tpu.memory_space<vmem_shared>> -> memref<80x128xf32, #tpu.memory_space<vmem_shared>>
      tpu.enqueue_dma source(%dma_start3A_354 : memref<80x128xf32, #tpu.memory_space<vmem_shared>>) target(%dma_start3A_352 : memref<80x128xf32, #tpu.memory_space<hbm>>) target_semaphore(%arg14 : memref<!tpu.dma_semaphore, #tpu.memory_space<semaphore_mem>>)
    } else {
    }
    %add3A_253 = arith.constant 48 : i32
    %add3A_254 = arith.addi %add3A_253, %arg1 : i32
    %lt3A_255 = arith.constant 125 : i32
    %lt3A_256 = arith.cmpi slt, %add3A_254, %lt3A_255 : i32
    %convert_element_type3A_257 = arith.extui %lt3A_256 : i1 to i32
    %cond3A_258 = arith.constant 0 : i32
    %cond3A_259 = arith.cmpi ne, %convert_element_type3A_257, %cond3A_258 : i32
    scf.if %cond3A_259 {
      %mul3A_344 = arith.constant 80 : i32
      %mul3A_345 = arith.muli %add3A_254, %mul3A_344 : i32
      %mul3A_346 = arith.constant 10000 : i32
      %mul3A_347 = arith.muli %arg0, %mul3A_346 : i32
      %mul3A_348 = arith.constant 80 : i32
      %mul3A_349 = arith.muli %add3A_254, %mul3A_348 : i32
      %add3A_350 = arith.addi %mul3A_347, %mul3A_349 : i32
      %dma_start3A_351 = arith.constant 0 : i32
      %dma_start3A_352 = tpu.memref_slice %arg4[%add3A_350, %dma_start3A_351] : memref<20000x128xf32, #tpu.memory_space<hbm>> -> memref<80x128xf32, #tpu.memory_space<hbm>>
      %dma_start3A_353 = arith.constant 0 : i32
      %dma_start3A_354 = tpu.memref_slice %arg7[%mul3A_345, %dma_start3A_353] : memref<10000x128xf32, #tpu.memory_space<vmem_shared>> -> memref<80x128xf32, #tpu.memory_space<vmem_shared>>
      tpu.enqueue_dma source(%dma_start3A_354 : memref<80x128xf32, #tpu.memory_space<vmem_shared>>) target(%dma_start3A_352 : memref<80x128xf32, #tpu.memory_space<hbm>>) target_semaphore(%arg14 : memref<!tpu.dma_semaphore, #tpu.memory_space<semaphore_mem>>)
    } else {
    }
    %add3A_260 = arith.constant 64 : i32
    %add3A_261 = arith.addi %add3A_260, %arg1 : i32
    %lt3A_262 = arith.constant 125 : i32
    %lt3A_263 = arith.cmpi slt, %add3A_261, %lt3A_262 : i32
    %convert_element_type3A_264 = arith.extui %lt3A_263 : i1 to i32
    %cond3A_265 = arith.constant 0 : i32
    %cond3A_266 = arith.cmpi ne, %convert_element_type3A_264, %cond3A_265 : i32
    scf.if %cond3A_266 {
      %mul3A_344 = arith.constant 80 : i32
      %mul3A_345 = arith.muli %add3A_261, %mul3A_344 : i32
      %mul3A_346 = arith.constant 10000 : i32
      %mul3A_347 = arith.muli %arg0, %mul3A_346 : i32
      %mul3A_348 = arith.constant 80 : i32
      %mul3A_349 = arith.muli %add3A_261, %mul3A_348 : i32
      %add3A_350 = arith.addi %mul3A_347, %mul3A_349 : i32
      %dma_start3A_351 = arith.constant 0 : i32
      %dma_start3A_352 = tpu.memref_slice %arg4[%add3A_350, %dma_start3A_351] : memref<20000x128xf32, #tpu.memory_space<hbm>> -> memref<80x128xf32, #tpu.memory_space<hbm>>
      %dma_start3A_353 = arith.constant 0 : i32
      %dma_start3A_354 = tpu.memref_slice %arg7[%mul3A_345, %dma_start3A_353] : memref<10000x128xf32, #tpu.memory_space<vmem_shared>> -> memref<80x128xf32, #tpu.memory_space<vmem_shared>>
      tpu.enqueue_dma source(%dma_start3A_354 : memref<80x128xf32, #tpu.memory_space<vmem_shared>>) target(%dma_start3A_352 : memref<80x128xf32, #tpu.memory_space<hbm>>) target_semaphore(%arg14 : memref<!tpu.dma_semaphore, #tpu.memory_space<semaphore_mem>>)
    } else {
    }
    %add3A_267 = arith.constant 80 : i32
    %add3A_268 = arith.addi %add3A_267, %arg1 : i32
    %lt3A_269 = arith.constant 125 : i32
    %lt3A_270 = arith.cmpi slt, %add3A_268, %lt3A_269 : i32
    %convert_element_type3A_271 = arith.extui %lt3A_270 : i1 to i32
    %cond3A_272 = arith.constant 0 : i32
    %cond3A_273 = arith.cmpi ne, %convert_element_type3A_271, %cond3A_272 : i32
    scf.if %cond3A_273 {
      %mul3A_344 = arith.constant 80 : i32
      %mul3A_345 = arith.muli %add3A_268, %mul3A_344 : i32
      %mul3A_346 = arith.constant 10000 : i32
      %mul3A_347 = arith.muli %arg0, %mul3A_346 : i32
      %mul3A_348 = arith.constant 80 : i32
      %mul3A_349 = arith.muli %add3A_268, %mul3A_348 : i32
      %add3A_350 = arith.addi %mul3A_347, %mul3A_349 : i32
      %dma_start3A_351 = arith.constant 0 : i32
      %dma_start3A_352 = tpu.memref_slice %arg4[%add3A_350, %dma_start3A_351] : memref<20000x128xf32, #tpu.memory_space<hbm>> -> memref<80x128xf32, #tpu.memory_space<hbm>>
      %dma_start3A_353 = arith.constant 0 : i32
      %dma_start3A_354 = tpu.memref_slice %arg7[%mul3A_345, %dma_start3A_353] : memref<10000x128xf32, #tpu.memory_space<vmem_shared>> -> memref<80x128xf32, #tpu.memory_space<vmem_shared>>
      tpu.enqueue_dma source(%dma_start3A_354 : memref<80x128xf32, #tpu.memory_space<vmem_shared>>) target(%dma_start3A_352 : memref<80x128xf32, #tpu.memory_space<hbm>>) target_semaphore(%arg14 : memref<!tpu.dma_semaphore, #tpu.memory_space<semaphore_mem>>)
    } else {
    }
    %add3A_274 = arith.constant 96 : i32
    %add3A_275 = arith.addi %add3A_274, %arg1 : i32
    %lt3A_276 = arith.constant 125 : i32
    %lt3A_277 = arith.cmpi slt, %add3A_275, %lt3A_276 : i32
    %convert_element_type3A_278 = arith.extui %lt3A_277 : i1 to i32
    %cond3A_279 = arith.constant 0 : i32
    %cond3A_280 = arith.cmpi ne, %convert_element_type3A_278, %cond3A_279 : i32
    scf.if %cond3A_280 {
      %mul3A_344 = arith.constant 80 : i32
      %mul3A_345 = arith.muli %add3A_275, %mul3A_344 : i32
      %mul3A_346 = arith.constant 10000 : i32
      %mul3A_347 = arith.muli %arg0, %mul3A_346 : i32
      %mul3A_348 = arith.constant 80 : i32
      %mul3A_349 = arith.muli %add3A_275, %mul3A_348 : i32
      %add3A_350 = arith.addi %mul3A_347, %mul3A_349 : i32
      %dma_start3A_351 = arith.constant 0 : i32
      %dma_start3A_352 = tpu.memref_slice %arg4[%add3A_350, %dma_start3A_351] : memref<20000x128xf32, #tpu.memory_space<hbm>> -> memref<80x128xf32, #tpu.memory_space<hbm>>
      %dma_start3A_353 = arith.constant 0 : i32
      %dma_start3A_354 = tpu.memref_slice %arg7[%mul3A_345, %dma_start3A_353] : memref<10000x128xf32, #tpu.memory_space<vmem_shared>> -> memref<80x128xf32, #tpu.memory_space<vmem_shared>>
      tpu.enqueue_dma source(%dma_start3A_354 : memref<80x128xf32, #tpu.memory_space<vmem_shared>>) target(%dma_start3A_352 : memref<80x128xf32, #tpu.memory_space<hbm>>) target_semaphore(%arg14 : memref<!tpu.dma_semaphore, #tpu.memory_space<semaphore_mem>>)
    } else {
    }
    %add3A_281 = arith.constant 112 : i32
    %add3A_282 = arith.addi %add3A_281, %arg1 : i32
    %lt3A_283 = arith.constant 125 : i32
    %lt3A_284 = arith.cmpi slt, %add3A_282, %lt3A_283 : i32
    %convert_element_type3A_285 = arith.extui %lt3A_284 : i1 to i32
    %cond3A_286 = arith.constant 0 : i32
    %cond3A_287 = arith.cmpi ne, %convert_element_type3A_285, %cond3A_286 : i32
    scf.if %cond3A_287 {
      %mul3A_344 = arith.constant 80 : i32
      %mul3A_345 = arith.muli %add3A_282, %mul3A_344 : i32
      %mul3A_346 = arith.constant 10000 : i32
      %mul3A_347 = arith.muli %arg0, %mul3A_346 : i32
      %mul3A_348 = arith.constant 80 : i32
      %mul3A_349 = arith.muli %add3A_282, %mul3A_348 : i32
      %add3A_350 = arith.addi %mul3A_347, %mul3A_349 : i32
      %dma_start3A_351 = arith.constant 0 : i32
      %dma_start3A_352 = tpu.memref_slice %arg4[%add3A_350, %dma_start3A_351] : memref<20000x128xf32, #tpu.memory_space<hbm>> -> memref<80x128xf32, #tpu.memory_space<hbm>>
      %dma_start3A_353 = arith.constant 0 : i32
      %dma_start3A_354 = tpu.memref_slice %arg7[%mul3A_345, %dma_start3A_353] : memref<10000x128xf32, #tpu.memory_space<vmem_shared>> -> memref<80x128xf32, #tpu.memory_space<vmem_shared>>
      tpu.enqueue_dma source(%dma_start3A_354 : memref<80x128xf32, #tpu.memory_space<vmem_shared>>) target(%dma_start3A_352 : memref<80x128xf32, #tpu.memory_space<hbm>>) target_semaphore(%arg14 : memref<!tpu.dma_semaphore, #tpu.memory_space<semaphore_mem>>)
    } else {
    }
    %add3A_288 = arith.constant 0 : i32
    %add3A_289 = arith.addi %add3A_288, %arg1 : i32
    %lt3A_290 = arith.constant 125 : i32
    %lt3A_291 = arith.cmpi slt, %add3A_289, %lt3A_290 : i32
    %convert_element_type3A_292 = arith.extui %lt3A_291 : i1 to i32
    %cond3A_293 = arith.constant 0 : i32
    %cond3A_294 = arith.cmpi ne, %convert_element_type3A_292, %cond3A_293 : i32
    scf.if %cond3A_294 {
      %mul3A_344 = arith.constant 80 : i32
      %mul3A_345 = arith.muli %add3A_289, %mul3A_344 : i32
      %mul3A_346 = arith.constant 10000 : i32
      %mul3A_347 = arith.muli %arg0, %mul3A_346 : i32
      %mul3A_348 = arith.constant 80 : i32
      %mul3A_349 = arith.muli %add3A_289, %mul3A_348 : i32
      %add3A_350 = arith.addi %mul3A_347, %mul3A_349 : i32
      %dma_wait3A_351 = arith.constant 0 : i32
      %dma_wait3A_352 = tpu.memref_slice %arg4[%add3A_350, %dma_wait3A_351] : memref<20000x128xf32, #tpu.memory_space<hbm>> -> memref<80x128xf32, #tpu.memory_space<hbm>>
      %dma_wait3A_353 = arith.constant 0 : i32
      %dma_wait3A_354 = tpu.memref_slice %arg7[%mul3A_345, %dma_wait3A_353] : memref<10000x128xf32, #tpu.memory_space<vmem_shared>> -> memref<80x128xf32, #tpu.memory_space<vmem_shared>>
      tpu.wait_dma2 semaphore(%arg14 : memref<!tpu.dma_semaphore, #tpu.memory_space<semaphore_mem>>) src(%dma_wait3A_354 : memref<80x128xf32, #tpu.memory_space<vmem_shared>>) dst(%dma_wait3A_352 : memref<80x128xf32, #tpu.memory_space<hbm>>)
    } else {
    }
    %add3A_295 = arith.constant 16 : i32
    %add3A_296 = arith.addi %add3A_295, %arg1 : i32
    %lt3A_297 = arith.constant 125 : i32
    %lt3A_298 = arith.cmpi slt, %add3A_296, %lt3A_297 : i32
    %convert_element_type3A_299 = arith.extui %lt3A_298 : i1 to i32
    %cond3A_300 = arith.constant 0 : i32
    %cond3A_301 = arith.cmpi ne, %convert_element_type3A_299, %cond3A_300 : i32
    scf.if %cond3A_301 {
      %mul3A_344 = arith.constant 80 : i32
      %mul3A_345 = arith.muli %add3A_296, %mul3A_344 : i32
      %mul3A_346 = arith.constant 10000 : i32
      %mul3A_347 = arith.muli %arg0, %mul3A_346 : i32
      %mul3A_348 = arith.constant 80 : i32
      %mul3A_349 = arith.muli %add3A_296, %mul3A_348 : i32
      %add3A_350 = arith.addi %mul3A_347, %mul3A_349 : i32
      %dma_wait3A_351 = arith.constant 0 : i32
      %dma_wait3A_352 = tpu.memref_slice %arg4[%add3A_350, %dma_wait3A_351] : memref<20000x128xf32, #tpu.memory_space<hbm>> -> memref<80x128xf32, #tpu.memory_space<hbm>>
      %dma_wait3A_353 = arith.constant 0 : i32
      %dma_wait3A_354 = tpu.memref_slice %arg7[%mul3A_345, %dma_wait3A_353] : memref<10000x128xf32, #tpu.memory_space<vmem_shared>> -> memref<80x128xf32, #tpu.memory_space<vmem_shared>>
      tpu.wait_dma2 semaphore(%arg14 : memref<!tpu.dma_semaphore, #tpu.memory_space<semaphore_mem>>) src(%dma_wait3A_354 : memref<80x128xf32, #tpu.memory_space<vmem_shared>>) dst(%dma_wait3A_352 : memref<80x128xf32, #tpu.memory_space<hbm>>)
    } else {
    }
    %add3A_302 = arith.constant 32 : i32
    %add3A_303 = arith.addi %add3A_302, %arg1 : i32
    %lt3A_304 = arith.constant 125 : i32
    %lt3A_305 = arith.cmpi slt, %add3A_303, %lt3A_304 : i32
    %convert_element_type3A_306 = arith.extui %lt3A_305 : i1 to i32
    %cond3A_307 = arith.constant 0 : i32
    %cond3A_308 = arith.cmpi ne, %convert_element_type3A_306, %cond3A_307 : i32
    scf.if %cond3A_308 {
      %mul3A_344 = arith.constant 80 : i32
      %mul3A_345 = arith.muli %add3A_303, %mul3A_344 : i32
      %mul3A_346 = arith.constant 10000 : i32
      %mul3A_347 = arith.muli %arg0, %mul3A_346 : i32
      %mul3A_348 = arith.constant 80 : i32
      %mul3A_349 = arith.muli %add3A_303, %mul3A_348 : i32
      %add3A_350 = arith.addi %mul3A_347, %mul3A_349 : i32
      %dma_wait3A_351 = arith.constant 0 : i32
      %dma_wait3A_352 = tpu.memref_slice %arg4[%add3A_350, %dma_wait3A_351] : memref<20000x128xf32, #tpu.memory_space<hbm>> -> memref<80x128xf32, #tpu.memory_space<hbm>>
      %dma_wait3A_353 = arith.constant 0 : i32
      %dma_wait3A_354 = tpu.memref_slice %arg7[%mul3A_345, %dma_wait3A_353] : memref<10000x128xf32, #tpu.memory_space<vmem_shared>> -> memref<80x128xf32, #tpu.memory_space<vmem_shared>>
      tpu.wait_dma2 semaphore(%arg14 : memref<!tpu.dma_semaphore, #tpu.memory_space<semaphore_mem>>) src(%dma_wait3A_354 : memref<80x128xf32, #tpu.memory_space<vmem_shared>>) dst(%dma_wait3A_352 : memref<80x128xf32, #tpu.memory_space<hbm>>)
    } else {
    }
    %add3A_309 = arith.constant 48 : i32
    %add3A_310 = arith.addi %add3A_309, %arg1 : i32
    %lt3A_311 = arith.constant 125 : i32
    %lt3A_312 = arith.cmpi slt, %add3A_310, %lt3A_311 : i32
    %convert_element_type3A_313 = arith.extui %lt3A_312 : i1 to i32
    %cond3A_314 = arith.constant 0 : i32
    %cond3A_315 = arith.cmpi ne, %convert_element_type3A_313, %cond3A_314 : i32
    scf.if %cond3A_315 {
      %mul3A_344 = arith.constant 80 : i32
      %mul3A_345 = arith.muli %add3A_310, %mul3A_344 : i32
      %mul3A_346 = arith.constant 10000 : i32
      %mul3A_347 = arith.muli %arg0, %mul3A_346 : i32
      %mul3A_348 = arith.constant 80 : i32
      %mul3A_349 = arith.muli %add3A_310, %mul3A_348 : i32
      %add3A_350 = arith.addi %mul3A_347, %mul3A_349 : i32
      %dma_wait3A_351 = arith.constant 0 : i32
      %dma_wait3A_352 = tpu.memref_slice %arg4[%add3A_350, %dma_wait3A_351] : memref<20000x128xf32, #tpu.memory_space<hbm>> -> memref<80x128xf32, #tpu.memory_space<hbm>>
      %dma_wait3A_353 = arith.constant 0 : i32
      %dma_wait3A_354 = tpu.memref_slice %arg7[%mul3A_345, %dma_wait3A_353] : memref<10000x128xf32, #tpu.memory_space<vmem_shared>> -> memref<80x128xf32, #tpu.memory_space<vmem_shared>>
      tpu.wait_dma2 semaphore(%arg14 : memref<!tpu.dma_semaphore, #tpu.memory_space<semaphore_mem>>) src(%dma_wait3A_354 : memref<80x128xf32, #tpu.memory_space<vmem_shared>>) dst(%dma_wait3A_352 : memref<80x128xf32, #tpu.memory_space<hbm>>)
    } else {
    }
    %add3A_316 = arith.constant 64 : i32
    %add3A_317 = arith.addi %add3A_316, %arg1 : i32
    %lt3A_318 = arith.constant 125 : i32
    %lt3A_319 = arith.cmpi slt, %add3A_317, %lt3A_318 : i32
    %convert_element_type3A_320 = arith.extui %lt3A_319 : i1 to i32
    %cond3A_321 = arith.constant 0 : i32
    %cond3A_322 = arith.cmpi ne, %convert_element_type3A_320, %cond3A_321 : i32
    scf.if %cond3A_322 {
      %mul3A_344 = arith.constant 80 : i32
      %mul3A_345 = arith.muli %add3A_317, %mul3A_344 : i32
      %mul3A_346 = arith.constant 10000 : i32
      %mul3A_347 = arith.muli %arg0, %mul3A_346 : i32
      %mul3A_348 = arith.constant 80 : i32
      %mul3A_349 = arith.muli %add3A_317, %mul3A_348 : i32
      %add3A_350 = arith.addi %mul3A_347, %mul3A_349 : i32
      %dma_wait3A_351 = arith.constant 0 : i32
      %dma_wait3A_352 = tpu.memref_slice %arg4[%add3A_350, %dma_wait3A_351] : memref<20000x128xf32, #tpu.memory_space<hbm>> -> memref<80x128xf32, #tpu.memory_space<hbm>>
      %dma_wait3A_353 = arith.constant 0 : i32
      %dma_wait3A_354 = tpu.memref_slice %arg7[%mul3A_345, %dma_wait3A_353] : memref<10000x128xf32, #tpu.memory_space<vmem_shared>> -> memref<80x128xf32, #tpu.memory_space<vmem_shared>>
      tpu.wait_dma2 semaphore(%arg14 : memref<!tpu.dma_semaphore, #tpu.memory_space<semaphore_mem>>) src(%dma_wait3A_354 : memref<80x128xf32, #tpu.memory_space<vmem_shared>>) dst(%dma_wait3A_352 : memref<80x128xf32, #tpu.memory_space<hbm>>)
    } else {
    }
    %add3A_323 = arith.constant 80 : i32
    %add3A_324 = arith.addi %add3A_323, %arg1 : i32
    %lt3A_325 = arith.constant 125 : i32
    %lt3A_326 = arith.cmpi slt, %add3A_324, %lt3A_325 : i32
    %convert_element_type3A_327 = arith.extui %lt3A_326 : i1 to i32
    %cond3A_328 = arith.constant 0 : i32
    %cond3A_329 = arith.cmpi ne, %convert_element_type3A_327, %cond3A_328 : i32
    scf.if %cond3A_329 {
      %mul3A_344 = arith.constant 80 : i32
      %mul3A_345 = arith.muli %add3A_324, %mul3A_344 : i32
      %mul3A_346 = arith.constant 10000 : i32
      %mul3A_347 = arith.muli %arg0, %mul3A_346 : i32
      %mul3A_348 = arith.constant 80 : i32
      %mul3A_349 = arith.muli %add3A_324, %mul3A_348 : i32
      %add3A_350 = arith.addi %mul3A_347, %mul3A_349 : i32
      %dma_wait3A_351 = arith.constant 0 : i32
      %dma_wait3A_352 = tpu.memref_slice %arg4[%add3A_350, %dma_wait3A_351] : memref<20000x128xf32, #tpu.memory_space<hbm>> -> memref<80x128xf32, #tpu.memory_space<hbm>>
      %dma_wait3A_353 = arith.constant 0 : i32
      %dma_wait3A_354 = tpu.memref_slice %arg7[%mul3A_345, %dma_wait3A_353] : memref<10000x128xf32, #tpu.memory_space<vmem_shared>> -> memref<80x128xf32, #tpu.memory_space<vmem_shared>>
      tpu.wait_dma2 semaphore(%arg14 : memref<!tpu.dma_semaphore, #tpu.memory_space<semaphore_mem>>) src(%dma_wait3A_354 : memref<80x128xf32, #tpu.memory_space<vmem_shared>>) dst(%dma_wait3A_352 : memref<80x128xf32, #tpu.memory_space<hbm>>)
    } else {
    }
    %add3A_330 = arith.constant 96 : i32
    %add3A_331 = arith.addi %add3A_330, %arg1 : i32
    %lt3A_332 = arith.constant 125 : i32
    %lt3A_333 = arith.cmpi slt, %add3A_331, %lt3A_332 : i32
    %convert_element_type3A_334 = arith.extui %lt3A_333 : i1 to i32
    %cond3A_335 = arith.constant 0 : i32
    %cond3A_336 = arith.cmpi ne, %convert_element_type3A_334, %cond3A_335 : i32
    scf.if %cond3A_336 {
      %mul3A_344 = arith.constant 80 : i32
      %mul3A_345 = arith.muli %add3A_331, %mul3A_344 : i32
      %mul3A_346 = arith.constant 10000 : i32
      %mul3A_347 = arith.muli %arg0, %mul3A_346 : i32
      %mul3A_348 = arith.constant 80 : i32
      %mul3A_349 = arith.muli %add3A_331, %mul3A_348 : i32
      %add3A_350 = arith.addi %mul3A_347, %mul3A_349 : i32
      %dma_wait3A_351 = arith.constant 0 : i32
      %dma_wait3A_352 = tpu.memref_slice %arg4[%add3A_350, %dma_wait3A_351] : memref<20000x128xf32, #tpu.memory_space<hbm>> -> memref<80x128xf32, #tpu.memory_space<hbm>>
      %dma_wait3A_353 = arith.constant 0 : i32
      %dma_wait3A_354 = tpu.memref_slice %arg7[%mul3A_345, %dma_wait3A_353] : memref<10000x128xf32, #tpu.memory_space<vmem_shared>> -> memref<80x128xf32, #tpu.memory_space<vmem_shared>>
      tpu.wait_dma2 semaphore(%arg14 : memref<!tpu.dma_semaphore, #tpu.memory_space<semaphore_mem>>) src(%dma_wait3A_354 : memref<80x128xf32, #tpu.memory_space<vmem_shared>>) dst(%dma_wait3A_352 : memref<80x128xf32, #tpu.memory_space<hbm>>)
    } else {
    }
    %add3A_337 = arith.constant 112 : i32
    %add3A_338 = arith.addi %add3A_337, %arg1 : i32
    %lt3A_339 = arith.constant 125 : i32
    %lt3A_340 = arith.cmpi slt, %add3A_338, %lt3A_339 : i32
    %convert_element_type3A_341 = arith.extui %lt3A_340 : i1 to i32
    %cond3A_342 = arith.constant 0 : i32
    %cond3A_343 = arith.cmpi ne, %convert_element_type3A_341, %cond3A_342 : i32
    scf.if %cond3A_343 {
      %mul3A_344 = arith.constant 80 : i32
      %mul3A_345 = arith.muli %add3A_338, %mul3A_344 : i32
      %mul3A_346 = arith.constant 10000 : i32
      %mul3A_347 = arith.muli %arg0, %mul3A_346 : i32
      %mul3A_348 = arith.constant 80 : i32
      %mul3A_349 = arith.muli %add3A_338, %mul3A_348 : i32
      %add3A_350 = arith.addi %mul3A_347, %mul3A_349 : i32
      %dma_wait3A_351 = arith.constant 0 : i32
      %dma_wait3A_352 = tpu.memref_slice %arg4[%add3A_350, %dma_wait3A_351] : memref<20000x128xf32, #tpu.memory_space<hbm>> -> memref<80x128xf32, #tpu.memory_space<hbm>>
      %dma_wait3A_353 = arith.constant 0 : i32
      %dma_wait3A_354 = tpu.memref_slice %arg7[%mul3A_345, %dma_wait3A_353] : memref<10000x128xf32, #tpu.memory_space<vmem_shared>> -> memref<80x128xf32, #tpu.memory_space<vmem_shared>>
      tpu.wait_dma2 semaphore(%arg14 : memref<!tpu.dma_semaphore, #tpu.memory_space<semaphore_mem>>) src(%dma_wait3A_354 : memref<80x128xf32, #tpu.memory_space<vmem_shared>>) dst(%dma_wait3A_352 : memref<80x128xf32, #tpu.memory_space<hbm>>)
    } else {
    }
    return
  }
}

module attributes {stable_mosaic.version = 14 : i64} {
  func.func @_tc_out_body(%arg0: i32, %arg1: memref<1000x128xf32, #tpu.memory_space<vmem>>, %arg2: memref<1000x128xf32, #tpu.memory_space<vmem>>, %arg3: memref<1000x128xf32, #tpu.memory_space<vmem>>, %arg4: memref<128x128xf32, #tpu.memory_space<vmem>>, %arg5: memref<1000x128xf32, #tpu.memory_space<vmem>>) attributes {dimension_semantics = [#tpu.dimension_semantics<arbitrary>], iteration_bounds = array<i64: 10>, scalar_prefetch = 0 : i64, scratch_operands = 0 : i64, tpu.core_type = #tpu.core_type<tc>, window_params = [{transform_indices = @transform_0, window_bounds = array<i64: 1000, 128>}, {transform_indices = @transform_1, window_bounds = array<i64: 1000, 128>}, {transform_indices = @transform_2, window_bounds = array<i64: 1000, 128>}, {transform_indices = @transform_3, window_bounds = array<i64: 128, 128>}, {transform_indices = @transform_4, window_bounds = array<i64: 1000, 128>}]} {
    %get3A = arith.constant 0 : index
    %get3A_0 = arith.constant 0 : index
    %get3A_1 = vector.load %arg2[%get3A, %get3A_0] : memref<1000x128xf32, #tpu.memory_space<vmem>>, vector<1000x128xf32>
    %get3A_2 = arith.constant 0 : index
    %get3A_3 = arith.constant 0 : index
    %get3A_4 = vector.load %arg3[%get3A_2, %get3A_3] : memref<1000x128xf32, #tpu.memory_space<vmem>>, vector<1000x128xf32>
    %add3A = arith.addf %get3A_1, %get3A_4 : vector<1000x128xf32>
    %get3A_5 = arith.constant 0 : index
    %get3A_6 = arith.constant 0 : index
    %get3A_7 = vector.load %arg4[%get3A_5, %get3A_6] : memref<128x128xf32, #tpu.memory_space<vmem>>, vector<128x128xf32>
    %dot_general3A = arith.constant dense<0.000000e+00> : vector<1000x128xf32>
    %dot_general3A_8 = tpu.matmul %add3A, %get3A_7, %dot_general3A {dimension_numbers = #tpu.dot_dimension_numbers<[1], [1], [0], [0], [0, 0, 1, 0], [], []>, transpose_lhs_hint = false} : vector<1000x128xf32>, vector<128x128xf32>, vector<1000x128xf32> -> vector<1000x128xf32>
    %get3A_9 = arith.constant 0 : index
    %get3A_10 = arith.constant 0 : index
    %get3A_11 = vector.load %arg1[%get3A_9, %get3A_10] : memref<1000x128xf32, #tpu.memory_space<vmem>>, vector<1000x128xf32>
    %add3A_12 = arith.addf %dot_general3A_8, %get3A_11 : vector<1000x128xf32>
    %max3A = arith.constant 0.000000e+00 : f32
    %max3A_13 = vector.broadcast %max3A : f32 to vector<1000x128xf32>
    %max3A_14 = arith.maximumf %add3A_12, %max3A_13 : vector<1000x128xf32>
    %swap3A = arith.constant 0 : index
    %swap3A_15 = arith.constant 0 : index
    %swap3A_16 = vector.load %arg5[%swap3A, %swap3A_15] : memref<1000x128xf32, #tpu.memory_space<vmem>>, vector<1000x128xf32>
    tpu.vector_store %arg5[%swap3A, %swap3A_15], %max3A_14 {strides = array<i32>} : memref<1000x128xf32, #tpu.memory_space<vmem>>, vector<1000x128xf32>,
    return
  }
  func.func @transform_0(%arg0: i32) -> (i32, i32) {
    %c0_i32 = arith.constant 0 : i32
    %c0_i32_0 = arith.constant 0 : i32
    return %arg0, %c0_i32 : i32, i32
  }
  func.func @transform_1(%arg0: i32) -> (i32, i32) {
    %c0_i32 = arith.constant 0 : i32
    %c0_i32_0 = arith.constant 0 : i32
    return %arg0, %c0_i32 : i32, i32
  }
  func.func @transform_2(%arg0: i32) -> (i32, i32) {
    %add3A = arith.constant 10 : i32
    %add3A_0 = arith.addi %arg0, %add3A : i32
    %c0_i32 = arith.constant 0 : i32
    %c0_i32_1 = arith.constant 0 : i32
    return %add3A_0, %c0_i32 : i32, i32
  }
  func.func @transform_3(%arg0: i32) -> (i32, i32) {
    %c0_i32 = arith.constant 0 : i32
    %c1_i32 = arith.constant 1 : i32
    %c0_i32_0 = arith.constant 0 : i32
    return %c0_i32, %c1_i32 : i32, i32
  }
  func.func @transform_4(%arg0: i32) -> (i32, i32) {
    %c0_i32 = arith.constant 0 : i32
    %c0_i32_0 = arith.constant 0 : i32
    return %arg0, %c0_i32 : i32, i32
  }
}

module attributes {stable_mosaic.version = 14 : i64} {
  func.func @_tc_xw_body(%arg0: i32, %arg1: memref<2000x128xf32, #tpu.memory_space<vmem>>, %arg2: memref<128x128xf32, #tpu.memory_space<vmem>>, %arg3: memref<1x128xf32, #tpu.memory_space<vmem>>, %arg4: memref<2000x128xf32, #tpu.memory_space<vmem>>) attributes {dimension_semantics = [#tpu.dimension_semantics<arbitrary>], iteration_bounds = array<i64: 5>, scalar_prefetch = 0 : i64, scratch_operands = 0 : i64, tpu.core_type = #tpu.core_type<tc>, window_params = [{transform_indices = @transform_0, window_bounds = array<i64: 2000, 128>}, {transform_indices = @transform_1, window_bounds = array<i64: 128, 128>}, {pipeline_mode = #tpu.pipeline_mode<synchronous>, transform_indices = @transform_2, window_bounds = array<i64: 1, 128>}, {transform_indices = @transform_3, window_bounds = array<i64: 2000, 128>}]} {
    %get3A = arith.constant 0 : index
    %get3A_0 = arith.constant 0 : index
    %get3A_1 = vector.load %arg1[%get3A, %get3A_0] : memref<2000x128xf32, #tpu.memory_space<vmem>>, vector<2000x128xf32>
    %get3A_2 = arith.constant 0 : index
    %get3A_3 = arith.constant 0 : index
    %get3A_4 = vector.load %arg2[%get3A_2, %get3A_3] : memref<128x128xf32, #tpu.memory_space<vmem>>, vector<128x128xf32>
    %dot_general3A = arith.constant dense<0.000000e+00> : vector<2000x128xf32>
    %dot_general3A_5 = tpu.matmul %get3A_1, %get3A_4, %dot_general3A {dimension_numbers = #tpu.dot_dimension_numbers<[1], [1], [0], [0], [0, 0, 1, 0], [], []>, transpose_lhs_hint = false} : vector<2000x128xf32>, vector<128x128xf32>, vector<2000x128xf32> -> vector<2000x128xf32>
    %get3A_6 = arith.constant 0 : index
    %get3A_7 = arith.constant 0 : index
    %get3A_8 = vector.load %arg3[%get3A_6, %get3A_7] : memref<1x128xf32, #tpu.memory_space<vmem>>, vector<1x128xf32>
    %add3A = vector.broadcast %get3A_8 : vector<1x128xf32> to vector<2000x128xf32>
    %add3A_9 = arith.addf %dot_general3A_5, %add3A : vector<2000x128xf32>
    %swap3A = arith.constant 0 : index
    %swap3A_10 = arith.constant 0 : index
    %swap3A_11 = vector.load %arg4[%swap3A, %swap3A_10] : memref<2000x128xf32, #tpu.memory_space<vmem>>, vector<2000x128xf32>
    tpu.vector_store %arg4[%swap3A, %swap3A_10], %add3A_9 {strides = array<i32>} : memref<2000x128xf32, #tpu.memory_space<vmem>>, vector<2000x128xf32>,
    return
  }
  func.func @transform_0(%arg0: i32) -> (i32, i32) {
    %c0_i32 = arith.constant 0 : i32
    %c0_i32_0 = arith.constant 0 : i32
    return %arg0, %c0_i32 : i32, i32
  }
  func.func @transform_1(%arg0: i32) -> (i32, i32) {
    %c0_i32 = arith.constant 0 : i32
    %c0_i32_0 = arith.constant 0 : i32
    %c0_i32_1 = arith.constant 0 : i32
    return %c0_i32, %c0_i32_0 : i32, i32
  }
  func.func @transform_2(%arg0: i32) -> (i32, i32) {
    %c0_i32 = arith.constant 0 : i32
    %c0_i32_0 = arith.constant 0 : i32
    %c0_i32_1 = arith.constant 0 : i32
    return %c0_i32, %c0_i32_0 : i32, i32
  }
  func.func @transform_3(%arg0: i32) -> (i32, i32) {
    %c0_i32 = arith.constant 0 : i32
    %c0_i32_0 = arith.constant 0 : i32
    return %arg0, %c0_i32 : i32, i32
  }
}

</mosaic_0001>

<sc_bundles>
// kernel: kernel.5.cloned.1.call-start
scs
__scs_entry_jumppad:
0x0: {  	(pc) =	sbr.rel $0x88, $3  }
0x1: {  	(tag) =	ssettag $0x0;
	lr =	simm.s32 $0x1  }
0x2: {  	[smem:$0x3F9C] =	sst lr;
	_ =	strace $0xD0000000  }
0x3: {  	_ = 	snop  }
0x4: {  	_ = 	snop  }
0x5: {  	_ = 	snop  }
0x6: {  	_ = 	snop  }
0x7: {  	_ = 	snop  }
__scs_overlays_trampoline_lowered:
0x8: {  	[smem:$0x3FAB] =	sst s0  }
0x9: {  	[smem:$0x3FAC] =	sst s1  }
0xa: {  	[smem:$0x3FAD] =	sst s2  }
0xb: {  	[smem:$0x3FAE] =	sst s3  }
0xc: {  	[smem:$0x3FAF] =	sst s4  }
0xd: {  	[smem:$0x3FB0] =	sst s5  }
0xe: {  	[smem:$0x3FB1] =	sst s6  }
0xf: {  	[smem:$0x3FB2] =	sst s7  }
0x10: {  	[smem:$0x3FB3] =	sst s8  }
0x11: {  	[smem:$0x3FB4] =	sst s9;
	s0 =	simm.s32 @!p0 $0x0  }
0x12: {  	s1 =	sld [smem:$0x3F9A];
	s0 =	simm.s32 @p0 $0x1  }
0x13: {  	[smem:$0x3FB5] =	sst s0;
	s0 =	simm.s32 @!p1 $0x0  }
0x14: {  	s2 =	sld [smem:$0x3F99];
	s0 =	simm.s32 @p1 $0x1  }
0x15: {  	[smem:$0x3FB6] =	sst s0;
	s0 =	simm.s32 @!p2 $0x0  }
0x16: {  	s3 =	sld [smem:$0x3FDB];
	s0 =	simm.s32 @p2 $0x1  }
0x17: {  	s4 =	simm.s32 $0x1BF5;
	[smem:$0x3FB8] =	sst s0  }
0x18: {  	s0 =	sld [smem:$0x3F9B];
	_ =	swait.ge [sflag:s4], $0x0  }
0x19: {  	s7 =	sld [smem:$0x3F9C]  }
0x1a: {  	s8 =	sadd.s32 $0xFFFFE003, lr  }
0x1b: {  	s9 =	sadd.s32 $0xFFFFFEF7, lr;
	s5 =	simm.s32 $0xFFFFFFFF;
	p2 =	slt.u32 s8, $0xFFFFF086  }
0x1c: {  	p1 =	slt.u32 s9, $0xF7A;
	s5 =	simm.s32 @!p2 $0x0  }
0x1d: {  	s5 =	simm.s32 @p1 $0x1;
	p0 =	seq.s32 s7, s2  }
0x1e: {  	s7 =	smul.u32 @!p0 $0xF7A, s2;
	p2 =	seq.s32 @!p0 s5, $0x0  }
0x1f: {  	s9 =	smul.u32 $0xF7A, s1;
	s8 =	simm.s32 @!p0 $0x1BF5;
	p2 =	por !p2, p0  }
0x20: {  	[sflag:s8] =	ssyncset.s32 @!p0 $0xFFFFF086;
	s6 =	sadd.s32 @!p0 s3, s7;
	s7 =	simm.s32 @!p0 $0x108  }
0x21: {  	s3 =	sadd.s32 s3, s9;
	s6 =	sadd.s32 @!p0 $0x88, s6;
	s7 =	simm.s32 @p2 $0x1082  }
0x22: {  	[simem:s7], [sflag:s8] =	dma.local @!p0 [hbm:s6], $0xF7A  }
0x23: {  	s9 =	sor.u32 $0xD0000000, s2;
	s6 =	simm.s32 $0x108;
	_ =	swait.ge @!p0 [sflag:s8], $0x0  }
0x24: {  	s3 =	sadd.s32 $0x88, s3;
	s6 =	simm.s32 @!p1 $0x1082;
	[sflag:s4] =	ssyncset.s32 $0xFFFFF086  }
0x25: {  	[simem:s6], [sflag:s4] =	dma.local [hbm:s3], $0xF7A  }
0x26: {  	[smem:$0x3F9C] =	sst s1;
	(tag) =	ssettag s2;
	_ =	strace s9  }
0x27: {  	s1 =	sld [smem:$0x3FAC]  }
0x28: {  	s2 =	sld [smem:$0x3FAD]  }
0x29: {  	s4 =	sld [smem:$0x3FAF]  }
0x2a: {  	p0 =	seq.s32 s5, $0x0;
	s5 =	sld [smem:$0x3FB0]  }
0x2b: {  	s6 =	sld [smem:$0x3FB1]  }
0x2c: {  	s7 =	sld [smem:$0x3FB2]  }
0x2d: {  	s3 =	simm.s32 $0x108;
	s8 =	sld [smem:$0x3FB3]  }
0x2e: {  	s3 =	simm.s32 @!p0 $0x1082;
	s9 =	sld [smem:$0x3FB4]  }
0x2f: {  	lr =	sadd.s32 s0, s3;
	s0 =	sld [smem:$0x3FAB]  }
0x30: {  	s3 =	sld [smem:$0x3FAE]  }
0x31: {  	[smem:$0x3FB7] =	sst s10  }
0x32: {  	s10 =	sld [smem:$0x3FB5];
	_ =	sdelay $0x3  }
0x33: {  	p0 =	seq.s32 s10, $0x1;
	s10 =	sld [smem:$0x3FB7];
	_ =	sdelay $0x3  }
0x34: {  	[smem:$0x3FB7] =	sst s10  }
0x35: {  	s10 =	sld [smem:$0x3FB6];
	_ =	sdelay $0x3  }
0x36: {  	p1 =	seq.s32 s10, $0x1;
	s10 =	sld [smem:$0x3FB7];
	_ =	sdelay $0x3  }
0x37: {  	[smem:$0x3FB7] =	sst s10  }
0x38: {  	s10 =	sld [smem:$0x3FB8]  }
0x39: {  	_ = 	snop;
	(pc) =	sbr.ind lr, $3  }
0x3a: {  	_ = 	snop  }
0x3b: {  	_ = 	snop  }
0x3c: {  	p2 =	seq.s32 s10, $0x1;
	s10 =	sld [smem:$0x3FB7]  }
0x3d: {  	_ =	shalt  }
0x3e: {  	_ =	shalt  }
0x3f: {  	_ =	shalt  }
0x40: {  	_ =	shalt  }
0x41: {  	_ =	shalt  }
0x42: {  	_ =	shalt  }
0x43: {  	_ =	shalt  }
0x44: {  	_ =	shalt  }
0x45: {  	_ =	shalt  }
0x46: {  	_ =	shalt  }
0x47: {  	_ =	shalt  }
0x48: {  	_ =	shalt  }
0x49: {  	_ =	shalt  }
0x4a: {  	_ =	shalt  }
0x4b: {  	_ =	shalt  }
0x4c: {  	_ =	shalt  }
0x4d: {  	_ =	shalt  }
0x4e: {  	_ =	shalt  }
0x4f: {  	_ =	shalt  }
0x50: {  	_ =	shalt  }
0x51: {  	_ =	shalt  }
0x52: {  	_ =	shalt  }
0x53: {  	_ =	shalt  }
0x54: {  	_ =	shalt  }
0x55: {  	_ =	shalt  }
0x56: {  	_ =	shalt  }
0x57: {  	_ =	shalt  }
0x58: {  	_ =	shalt  }
0x59: {  	_ =	shalt  }
0x5a: {  	_ =	shalt  }
0x5b: {  	_ =	shalt  }
0x5c: {  	_ =	shalt  }
0x5d: {  	_ =	shalt  }
0x5e: {  	_ =	shalt  }
0x5f: {  	_ =	shalt  }
0x60: {  	_ =	shalt  }
0x61: {  	_ =	shalt  }
0x62: {  	_ =	shalt  }
0x63: {  	_ =	shalt  }
0x64: {  	_ =	shalt  }
0x65: {  	_ =	shalt  }
0x66: {  	_ =	shalt  }
0x67: {  	_ =	shalt  }
0x68: {  	_ =	shalt  }
0x69: {  	_ =	shalt  }
0x6a: {  	_ =	shalt  }
0x6b: {  	_ =	shalt  }
0x6c: {  	_ =	shalt  }
0x6d: {  	_ =	shalt  }
0x6e: {  	_ =	shalt  }
0x6f: {  	_ =	shalt  }
0x70: {  	_ =	shalt  }
0x71: {  	_ =	shalt  }
0x72: {  	_ =	shalt  }
0x73: {  	_ =	shalt  }
0x74: {  	_ =	shalt  }
0x75: {  	_ =	shalt  }
0x76: {  	_ =	shalt  }
0x77: {  	_ =	shalt  }
0x78: {  	_ =	shalt  }
0x79: {  	_ =	shalt  }
0x7a: {  	_ =	shalt  }
0x7b: {  	_ =	shalt  }
0x7c: {  	_ =	shalt  }
0x7d: {  	_ =	shalt  }
0x7e: {  	_ =	shalt  }
0x7f: {  	_ =	shalt  }
0x80: {  	_ =	shalt  }
0x81: {  	_ =	shalt  }
0x82: {  	_ =	shalt  }
0x83: {  	_ =	shalt  }
0x84: {  	_ =	shalt  }
0x85: {  	_ =	shalt  }
0x86: {  	_ =	shalt  }
0x87: {  	_ =	shalt  }
.Lfunc_end0:
.L_simem_size_0:
called_computation_lowered:
.L_overlay_start_0:
0x88: {  	s2 =	sld [smem:$0x3FD9]  }
0x89: {  	s3 =	sld [smem:$0x3FFE];
	_ =	sdelay $0x1  }
0x8a: {  	s1 =	srdreg.scid  }
0x8b: {  	s0 =	sand.u32 $0x1, s1  }
0x8c: {  	s17 =	sshll.u32 s0, $0xA;
	s2 =	sadd.s32 s3, s2  }
0x8d: {  	s2 =	sadd.s32 s2, s17  }
0x8e: {  	[smem:$0x3FC3] =	sst s2  }
0x8f: {  	_ = 	snop  }
0x90: {  	s2 =	sld [smem:$0x3FC8]  }
0x91: {  	s18 =	sld [smem:$0x3FD0];
	(tm) =	ssettm $0x1  }
0x92: {  	s4 =	sld [smem:$0x3FFB];
	_ =	sdelay $0x3  }
0x93: {  	_ =	strace s4  }
0x94: {  	s4 =	sld [smem:$0x3FFC];
	_ =	sdelay $0x3  }
0x95: {  	_ =	strace s4  }
0x96: {  	s4 =	sld [smem:$0x3FFD];
	_ =	sdelay $0x3  }
0x97: {  	_ =	strace s4  }
0x98: {  	_ =	strace $0x8FFFFFFF  }
0x99: {  	s19 =	sld [smem:$0x3FDB];
	_ =	sdelay $0x1  }
0x9a: {  	s5 =	simm.s32 $_scs_section_size  }
0x9b: {  	s6 =	simm.s32 $_size__tile_overlayer_lowered;
	s7 =	simm.s32 $_tile_overlayer_lowered  }
0x9c: {  	s22 =	simm.s32 $0x1BFF;
	s21 =	sshll.u32 s7, $0x1;
	s4 =	sadd.s32 s5, s19  }
0x9d: {  	s8 =	simm.s32 $0x0;
	s20 =	sshll.u32 s6, $0x1;
	s6 =	sadd.s32 s21, s4  }
0x9e: {  	[timem:s8], [sflag:s22] =	dma.local [hbm:s6], s20  }
0x9f: {  	_ =	swait.ge [sflag:s22], s20  }
0xa0: {  	s5 =	ssub.s32 $0x0, s20;
	[sflag:s22] =	ssyncset.done $0x0  }
0xa1: {  	[sflag:s22] =	ssyncadd.s32 s5;
	_ =	sdelay $0x1  }
0xa2: {  	s23 =	simm.s32 $0x1B8B  }
0xa3: {  	_ =	swait.ge [sflag:s23], $0x1  }
0xa4: {  	[sflag:s23] =	ssyncset.done $0x0  }
0xa5: {  	s25 =	simm.s32 $0x1B8E;
	s24 =	sld [smem:$0x3FFE];
	[sflag:s23] =	ssyncadd.s32 $0xFFFFFFFF  }
0xa6: {  	s26 =	simm.s32 $execute0_lowered;
	[smem:$0x3FD2] =	sst s25  }
0xa7: {  	s6 =	sshll.u32 s26, $0x1;
	_ =	strace $0x80000046;
	[dreg:$0x1] =	wrdreg $0xFFFFFFFF  }
0xa8: {  	s28 =	simm.s32 $_size_execute0_lowered;
	s4 =	sadd.s32 s4, s6;
	[dreg:$0x0] =	wrdreg $0x0  }
0xa9: {  	s6 =	sshll.u32 s28, $0x1;
	[dreg:$0x2] =	wrdreg s4  }
0xaa: {  	[dreg:$0x3] =	wrdreg s6  }
0xab: {  	[dreg:$0x4] =	wrdreg $0xC0  }
0xac: {  	_ =	task [dreg:s8], $0x5FFFF  }
0xad: {  	[dreg:$0x1] =	wrdreg $0xFFFFFFFF  }
0xae: {  	[dreg:$0x0] =	wrdreg $0x60  }
0xaf: {  	[dreg:$0x2] =	wrdreg s2  }
0xb0: {  	[dreg:$0x3] =	wrdreg s18  }
0xb1: {  	[dreg:$0x4] =	wrdreg s24  }
0xb2: {  	[dreg:$0x5] =	wrdreg $0xB8000  }
0xb3: {  	[dreg:$0x6] =	wrdreg $0x9  }
0xb4: {  	_ =	task.clear_ibuf [dreg:s8], $0x7FFFF;
	_ =	strace $0x90000046  }
0xb5: {  	s29 =	simm.s32 $0x9;
	_ =	strace $0x80000048  }
0xb6: {  	_ =	swait.ge [sflag:s29], $0x1  }
0xb7: {  	[sflag:s29] =	ssyncadd.s32 $0xFFFFFFFF  }
0xb8: {  	_ =	strace $0x90000048  }
0xb9: {  	_ =	sfence  }
0xba: {  	s30 =	sld [smem:$0x0];
	_ =	sdelay $0x2  }
0xbb: {  	s31 =	sshll.u32 s1, $0xD;
	s1 =	sshrl.u32 s1, $0x2  }
0xbc: {  	s3 =	sand.u32 $0x4000, s31;
	s1 =	sadd.s32 s1, s30  }
0xbd: {  	s0 =	sor.u32 s3, s0;
	s1 =	sshll.u32 s1, $0x11  }
0xbe: {  	s0 =	sor.u32 s1, s0  }
0xbf: {  	s0 =	sadd.s32 $0x8F2B, s0  }
0xc0: {  	[sflag:s0] =	ssyncadd.remote.s32 $0x1  }
0xc1: {  	_ =	sfence.sel $0xFFFF  }
0xc2: {  	[dreg:$0x0] =	wrdreg $0xFFFFFFFF;
	(pc) =	sbr.abs _section_cstart, $3  }
0xc3: {  	[dreg:$0x1] =	wrdreg $0xFFFFFFFF  }
0xc4: {  	_ =	task.clear_ibuf [dreg:s8], $0x2FFFF;
	_ =	strace $0x9FFFFFFF  }
0xc5: {  	(tm) =	ssettm $0x7FFFFFFF  }
tec
execute0_lowered:
.L_overlay_start_1:
0x0: {  	(tag) =	ssettag $0x1  }
0x1: {  	s25 =	stileid.u32  }
0x2: {  	s1 =	srdreg.scid;
	s10 =	smul.u32 $0x50, s25  }
0x3: {  	s4 =	sand.u32 $0x1, s1;
	s23 =	smul.u32 $0xA000, s25  }
0x4: {  	s9 =	sor.u32 $0x10, s25;
	s24 =	smul.u32 $0x2710, s4  }
0x5: {  	s11 =	sor.u32 $0x20, s25;
	s12 =	smul.u32 $0x50, s9  }
0x6: {  	s0 =	rddreg [dreg:$0x0];
	s14 =	sor.u32 $0x30, s25;
	s15 =	smul.u32 $0x50, s11  }
0x7: {  	s5 =	rddreg [dreg:$0x1];
	s16 =	sor.u32 $0x50, s25;
	s26 =	smul.u32 $0x50, s14  }
0x8: {  	s6 =	rddreg [dreg:$0x2];
	s17 =	sor.u32 $0x60, s25;
	s20 =	smul.u32 $0x50, s16  }
0x9: {  	s3 =	simm.s32 $0x0;
	s19 =	sor.u32 $0x70, s25;
	s21 =	smul.u32 $0x50, s17  }
0xa: {  	s29 =	simm.s32 $0x9000;
	s30 =	simm.s32 $0x4000;
	s28 =	smul.u32 $0x50, s19  }
0xb: {  	s31 =	simm.s32 $0x6800;
	s1 =	rddreg [dreg:$0x3];
	s9 =	smul.u32 $0xA000, s9  }
0xc: {  	[smem:$0x7FF] =	sst s3;
	p0 =	sgt.u32 s25, $0xC;
	s14 =	smul.u32 $0xA000, s14  }
0xd: {  	s2 =	ssub.s32 $0x2, s4;
	s8 =	sshll.u32 s4, $0x4;
	s19 =	smul.u32 $0xA000, s19  }
0xe: {  	s4 =	smul.u32 $0x271000, s4;
	s7 =	sshrl.u32 s2, $0x1;
	s8 =	sor.u32 s25, s8  }
0xf: {  	s2 =	ssub.s32 s2, s7;
	s13 =	sshll.u32 s8, $0xB;
	s10 =	sadd.s32 s10, s24  }
0x10: {  	s12 =	sadd.s32 s24, s12;
	s15 =	sadd.s32 s24, s15;
	s22 =	sadd.s32 s24, s26  }
0x11: {  	s20 =	sadd.s32 s24, s20;
	s21 =	sadd.s32 s24, s21;
	s26 =	sshrl.u32 s23, $0x2  }
0x12: {  	s23 =	sshrl.u32 s9, $0x2;
	s14 =	sshrl.u32 s14, $0x2;
	s5 =	sadd.s32 s5, s13  }
0x13: {  	s13 =	sor.u32 $0x40, s25;
	s10 =	sshll.u32 s10, $0x4;
	s12 =	sshll.u32 s12, $0x4  }
0x14: {  	s15 =	sshll.u32 s15, $0x4;
	[dreg:$0x5] =	wrdreg s5;
	s18 =	smul.u32 $0x50, s13  }
0x15: {  	s2 =	smax.u32 s2, $0x1;
	s5 =	sadd.s32 s26, s1;
	_ =	strace $0x80000047  }
0x16: {  	[dreg:$0x10] =	wrdreg s2;
	s2 =	simm.s32 $0x8;
	s18 =	sadd.s32 s24, s18  }
0x17: {  	s24 =	sadd.s32 s24, s28;
	s28 =	smul.u32 $0xA000, s11;
	s11 =	sadd.s32 $0x800, s6  }
0x18: {  	s6 =	sadd.s32 s23, s1;
	s23 =	smul.u32 $0xA000, s17;
	s10 =	sadd.s32 s11, s10  }
0x19: {  	s12 =	sadd.s32 s11, s12;
	s26 =	sshrl.u32 s28, $0x2;
	s28 =	smul.u32 $0xA000, s13  }
0x1a: {  	s17 =	sshll.u32 s18, $0x4;
	s13 =	smul.u32 $0xA000, s16;
	[dreg:$0x6] =	wrdreg s10  }
0x1b: {  	[dreg:$0x7] =	wrdreg s12;
	s10 =	sadd.s32 s11, s15;
	s16 =	sshll.u32 s22, $0x4  }
0x1c: {  	s18 =	sadd.s32 s11, s17;
	s22 =	sshll.u32 s20, $0x4;
	s12 =	smul.u32 $0x27100, s8  }
0x1d: {  	s8 =	smul.u32 $0x138800, s8;
	s20 =	sshrl.u32 s23, $0x2;
	[dreg:$0x8] =	wrdreg s10  }
0x1e: {  	s7 =	sadd.s32 s26, s1;
	s10 =	sadd.s32 s11, s16;
	[dreg:$0xa] =	wrdreg s18  }
0x1f: {  	s26 =	sshll.u32 s21, $0x4;
	s16 =	sadd.s32 s14, s1;
	s21 =	sshrl.u32 s19, $0x2  }
0x20: {  	s20 =	sadd.s32 s20, s1;
	s14 =	simm.s32 $0x9;
	s9 =	sshrl.u32 s28, $0x2  }
0x21: {  	[dreg:$0x9] =	wrdreg s10;
	s10 =	sadd.s32 s11, s22;
	s28 =	sshll.u32 s24, $0x4  }
0x22: {  	s15 =	sshrl.u32 s13, $0x2;
	s18 =	sadd.s32 s0, s12;
	s8 =	sshrl.u32 s8, $0x3  }
0x23: {  	s22 =	smul.u32 $0x27100, s25;
	s21 =	sadd.s32 s21, s1;
	s12 =	simm.s32 $0x5  }
0x24: {  	s13 =	simm.s32 $0x6;
	[dreg:$0xb] =	wrdreg s10;
	s10 =	sadd.s32 s11, s26  }
0x25: {  	s11 =	sadd.s32 s11, s28;
	s17 =	sadd.s32 s9, s1;
	s8 =	sadd.s32 s0, s8  }
0x26: {  	s0 =	sadd.s32 s4, s0;
	s19 =	sadd.s32 s15, s1;
	s26 =	sadd.s32 $0x26700, s18  }
0x27: {  	s28 =	sadd.s32 $0x26C00, s18;
	s4 =	simm.s32 $0x1;
	[dreg:$0xc] =	wrdreg s10  }
0x28: {  	s9 =	simm.s32 $0x2;
	s15 =	simm.s32 $0x0;
	[dreg:$0xd] =	wrdreg s11  }
0x29: {  	s0 =	sadd.s32 s22, s0;
	s23 =	sadd.s32 $0x500, s8;
	[dreg:$0x11] =	wrdreg s26  }
0x2a: {  	s24 =	sadd.s32 $0xA00, s8;
	[dreg:$0x12] =	wrdreg s28;
	s8 =	simm.s32 $0x50  }
0x2b: {  	s10 =	simm.s32 $0x3;
	s11 =	simm.s32 $0x4;
	[dreg:$0xe] =	wrdreg s23  }
0x2c: {  	v0 =	vimm.f32 $0.0e+00;
	[dreg:$0xf] =	wrdreg s24;
	s24 =	sadd.s32 $0x1900, s0;
	s0 =	simm.s32 $0x7  }
.LBB2_1:
0x2d: {  	s22 =	rddreg [dreg:$0x5]  }
0x2e: {  	[tilespmem:s3], [sflag:$0x8] =	stream.linear.gather [hbm4b:s22+s3], $0x3E80, $0x38;
	[tilespmem:$0x1F080] =	vst v63  }
0x2f: {  	s23 =	simm.s32 $0x200;
	s22 =	simm.s32 $0x0  }
.LBB2_2:
0x30: {  	p1 =	sne.s32 s23, $0x9E00;
	[tilespmem:s22+$0x9070] =	vst v0  }
0x31: {  	[tilespmem:s22+$0x9000] =	vst v0  }
0x32: {  	[tilespmem:s22+$0x9010] =	vst v0  }
.Ltmp0:
0x33: {  	[tilespmem:s22+$0x9020] =	vst v0;
	(pc) =	sbr.rel @p1 .LBB2_2-.Ltmp0, $4  }
0x34: {  	[tilespmem:s22+$0x9030] =	vst v0  }
0x35: {  	[tilespmem:s22+$0x9040] =	vst v0  }
0x36: {  	[tilespmem:s22+$0x9050] =	vst v0  }
0x37: {  	[tilespmem:s22+$0x9060] =	vst v0;
	s22 =	sshra.s32 s23, $0x2;
	s23 =	sadd.s32 $0x200, s23  }
0x38: {  	[tilespmem:s22+$0x9070] =	vst v0  }
0x39: {  	[tilespmem:s22+$0x9000] =	vst v0  }
0x3a: {  	[tilespmem:s22+$0x9010] =	vst v0  }
0x3b: {  	[tilespmem:s22+$0x9020] =	vst v0  }
0x3c: {  	[tilespmem:s22+$0x9030] =	vst v0  }
0x3d: {  	[tilespmem:s22+$0x9040] =	vst v0  }
0x3e: {  	[tilespmem:s22+$0x9050] =	vst v0  }
0x3f: {  	[tilespmem:s22+$0x9060] =	vst v0  }
0x40: {  	[spmem:s5] =	stream.linear.scatter [tilespmem:s29], [sflag:$0x7], $0x2800, $0x38;
	[tilespmem:$0x1F080] =	vst v63  }
0x41: {  	_ = 	snop  }
0x42: {  	[spmem:s6] =	stream.linear.scatter [tilespmem:s29], [sflag:$0x7], $0x2800, $0x38;
	[tilespmem:$0x1F080] =	vst v63  }
0x43: {  	_ = 	snop  }
0x44: {  	[spmem:s7] =	stream.linear.scatter [tilespmem:s29], [sflag:$0x7], $0x2800, $0x38;
	[tilespmem:$0x1F080] =	vst v63  }
0x45: {  	_ = 	snop  }
0x46: {  	[spmem:s16] =	stream.linear.scatter [tilespmem:s29], [sflag:$0x7], $0x2800, $0x38;
	[tilespmem:$0x1F080] =	vst v63  }
0x47: {  	_ = 	snop  }
0x48: {  	[spmem:s17] =	stream.linear.scatter [tilespmem:s29], [sflag:$0x7], $0x2800, $0x38;
	[tilespmem:$0x1F080] =	vst v63  }
0x49: {  	_ = 	snop  }
0x4a: {  	[spmem:s19] =	stream.linear.scatter [tilespmem:s29], [sflag:$0x7], $0x2800, $0x38;
	[tilespmem:$0x1F080] =	vst v63  }
0x4b: {  	_ = 	snop  }
0x4c: {  	[spmem:s20] =	stream.linear.scatter [tilespmem:s29], [sflag:$0x7], $0x2800, $0x38;
	[tilespmem:$0x1F080] =	vst v63  }
0x4d: {  	s22 =	simm.s32 @!p0 $0x9000  }
0x4e: {  	[spmem:s21] =	stream.linear.scatter @!p0 [tilespmem:s22], [sflag:$0x7], $0x2800, $0x38;
	[tilespmem:$0x1F080] =	vst v63  }
0x4f: {  	_ = 	snop  }
0x50: {  	[tilespmem:s30], [sflag:$0x1] =	stream.linear.gather [hbm4b:s18+s3], $0x2800, $0x38;
	[tilespmem:$0x1F080] =	vst v63  }
0x51: {  	s25 =	rddreg [dreg:$0xe]  }
0x52: {  	[tilespmem:s31], [sflag:$0x2] =	stream.linear.gather [hbm4b:s25+s3], $0x2800, $0x38;
	[tilespmem:$0x1F080] =	vst v63  }
0x53: {  	_ =	swait.ge [sflag:s0], $0x2800  }
0x54: {  	[sflag:s0] =	ssyncset.done $0x0  }
0x55: {  	[sflag:s0] =	ssyncadd.s32 $0xFFFFD800  }
0x56: {  	_ =	swait.ge [sflag:s0], $0x2800  }
0x57: {  	[sflag:s0] =	ssyncset.done $0x0  }
0x58: {  	[sflag:s0] =	ssyncadd.s32 $0xFFFFD800  }
0x59: {  	_ =	swait.ge [sflag:s0], $0x2800  }
0x5a: {  	[sflag:s0] =	ssyncset.done $0x0  }
0x5b: {  	[sflag:s0] =	ssyncadd.s32 $0xFFFFD800  }
0x5c: {  	_ =	swait.ge [sflag:s0], $0x2800  }
0x5d: {  	[sflag:s0] =	ssyncset.done $0x0  }
0x5e: {  	[sflag:s0] =	ssyncadd.s32 $0xFFFFD800  }
0x5f: {  	_ =	swait.ge [sflag:s0], $0x2800  }
0x60: {  	[sflag:s0] =	ssyncset.done $0x0  }
0x61: {  	[sflag:s0] =	ssyncadd.s32 $0xFFFFD800  }
0x62: {  	_ =	swait.ge [sflag:s0], $0x2800  }
0x63: {  	[sflag:s0] =	ssyncset.done $0x0  }
0x64: {  	[sflag:s0] =	ssyncadd.s32 $0xFFFFD800  }
0x65: {  	_ =	swait.ge [sflag:s0], $0x2800  }
0x66: {  	[sflag:s0] =	ssyncset.done $0x0  }
0x67: {  	s22 =	simm.s32 @!p0 $0x7;
	[sflag:s0] =	ssyncadd.s32 $0xFFFFD800  }
0x68: {  	_ =	swait.ge @!p0 [sflag:s22], $0x2800  }
0x69: {  	[sflag:s22] =	ssyncset.done @!p0 $0x0  }
0x6a: {  	s26 =	simm.s32 $0x0;
	s23 =	rddreg [dreg:$0xf];
	[sflag:s22] =	ssyncadd.s32 @!p0 $0xFFFFD800  }
0x6b: {  	[tilespmem:s29], [sflag:$0x3] =	stream.linear.gather [hbm4b:s23+s26], $0x2800, $0x38;
	[tilespmem:$0x1F080] =	vst v63  }
0x6c: {  	_ =	swait.ge [sflag:s2], $0x3E80  }
0x6d: {  	[sflag:s2] =	ssyncset.done $0x0  }
0x6e: {  	[sflag:s2] =	ssyncadd.s32 $0xFFFFC180  }
0x6f: {  	[bflag:$0x0] =	sbarrier.arrive $0xFFFF  }
0x70: {  	_ =	swait.ge [sflag:s4], $0x2800  }
0x71: {  	[sflag:s4] =	ssyncset.done $0x0  }
0x72: {  	s28 =	simm.s32 $0x0;
	[sflag:s4] =	ssyncadd.s32 $0xFFFFD800  }
0x73: {  	[spmem:s1] =	stream.indirect.scatter.add.f32 [tilespmem:s30], [sflag:$0x4], $0x80, s28, s8, $0xb8;
	[tilespmem:$0x1F080] =	vst v63  }
0x74: {  	_ =	swait.ge [sflag:s9], $0x2800  }
0x75: {  	[sflag:s9] =	ssyncset.done $0x0  }
0x76: {  	s23 =	simm.s32 $0x80;
	[sflag:s9] =	ssyncadd.s32 $0xFFFFD800  }
0x77: {  	[spmem:s1] =	stream.indirect.scatter.add.f32 [tilespmem:s31], [sflag:$0x5], $0x80, s23, s8, $0xb8;
	[tilespmem:$0x1F080] =	vst v63  }
0x78: {  	_ =	swait.ge [sflag:s10], $0x2800  }
0x79: {  	[sflag:s10] =	ssyncset.done $0x0  }
0x7a: {  	s25 =	simm.s32 $0x100;
	[sflag:s10] =	ssyncadd.s32 $0xFFFFD800  }
0x7b: {  	[spmem:s1] =	stream.indirect.scatter.add.f32 [tilespmem:s29], [sflag:$0x6], $0x80, s25, s8, $0xb8;
	[tilespmem:$0x1F080] =	vst v63  }
0x7c: {  	_ =	swait.ge [sflag:s11], $0x2800  }
0x7d: {  	[sflag:s11] =	ssyncset.done $0x0  }
0x7e: {  	s26 =	sadd.s32 $0xFFFFF600, s24;
	[sflag:s11] =	ssyncadd.s32 $0xFFFFD800  }
0x7f: {  	[tilespmem:s30], [sflag:$0x1] =	stream.linear.gather [hbm4b:s26+s3], $0x2800, $0x38;
	[tilespmem:$0x1F080] =	vst v63  }
0x80: {  	_ =	swait.ge [sflag:s12], $0x2800  }
0x81: {  	[sflag:s12] =	ssyncset.done $0x0  }
0x82: {  	s28 =	sadd.s32 $0xFFFFFB00, s24;
	[sflag:s12] =	ssyncadd.s32 $0xFFFFD800  }
0x83: {  	[tilespmem:s31], [sflag:$0x2] =	stream.linear.gather [hbm4b:s28+s3], $0x2800, $0x38;
	[tilespmem:$0x1F080] =	vst v63  }
0x84: {  	_ =	swait.ge [sflag:s13], $0x2800  }
0x85: {  	s22 =	simm.s32 $0x600;
	[sflag:s13] =	ssyncset.done $0x0  }
0x86: {  	s23 =	sadd.s32 $0xF00, s24;
	s25 =	smov.u32 s24;
	[sflag:s13] =	ssyncadd.s32 $0xFFFFD800  }
.LBB2_4:
0x87: {  	[tilespmem:s29], [sflag:$0x3] =	stream.linear.gather [hbm4b:s25+s3], $0x2800, $0x38;
	[tilespmem:$0x1F080] =	vst v63  }
0x88: {  	s26 =	smov.u32 s22;
	s25 =	smov.u32 s23  }
0x89: {  	p1 =	sne.s32 s22, $0xEA00;
	s22 =	sadd.s32 $0x600, s22;
	_ =	swait.ge [sflag:s4], $0x2800  }
0x8a: {  	[sflag:s4] =	ssyncset.done $0x0  }
0x8b: {  	s26 =	sshra.s32 s26, $0x2;
	[sflag:s4] =	ssyncadd.s32 $0xFFFFD800  }
0x8c: {  	[spmem:s1] =	stream.indirect.scatter.add.f32 [tilespmem:s30], [sflag:$0x4], $0x80, s26, s8, $0xb8;
	[tilespmem:$0x1F080] =	vst v63  }
0x8d: {  	_ =	swait.ge [sflag:s9], $0x2800  }
0x8e: {  	[sflag:s9] =	ssyncset.done $0x0  }
0x8f: {  	s28 =	sadd.s32 $0x80, s26;
	[sflag:s9] =	ssyncadd.s32 $0xFFFFD800  }
0x90: {  	[spmem:s1] =	stream.indirect.scatter.add.f32 [tilespmem:s31], [sflag:$0x5], $0x80, s28, s8, $0xb8;
	[tilespmem:$0x1F080] =	vst v63  }
0x91: {  	_ =	swait.ge [sflag:s10], $0x2800  }
0x92: {  	[sflag:s10] =	ssyncset.done $0x0  }
0x93: {  	s26 =	sadd.s32 $0x100, s26;
	[sflag:s10] =	ssyncadd.s32 $0xFFFFD800  }
0x94: {  	[spmem:s1] =	stream.indirect.scatter.add.f32 [tilespmem:s29], [sflag:$0x6], $0x80, s26, s8, $0xb8;
	[tilespmem:$0x1F080] =	vst v63  }
0x95: {  	_ =	swait.ge [sflag:s11], $0x2800  }
0x96: {  	[sflag:s11] =	ssyncset.done $0x0  }
0x97: {  	s26 =	sadd.s32 $0xFFFFF600, s23;
	[sflag:s11] =	ssyncadd.s32 $0xFFFFD800  }
0x98: {  	[tilespmem:s30], [sflag:$0x1] =	stream.linear.gather [hbm4b:s26+s3], $0x2800, $0x38;
	[tilespmem:$0x1F080] =	vst v63  }
0x99: {  	_ =	swait.ge [sflag:s12], $0x2800  }
0x9a: {  	[sflag:s12] =	ssyncset.done $0x0  }
.Ltmp1:
0x9b: {  	s26 =	sadd.s32 $0xFFFFFB00, s23;
	[sflag:s12] =	ssyncadd.s32 $0xFFFFD800;
	(pc) =	sbr.rel @p1 .LBB2_4-.Ltmp1, $4  }
0x9c: {  	[tilespmem:s31], [sflag:$0x2] =	stream.linear.gather [hbm4b:s26+s3], $0x2800, $0x38;
	[tilespmem:$0x1F080] =	vst v63  }
0x9d: {  	_ =	swait.ge [sflag:s13], $0x2800  }
0x9e: {  	[sflag:s13] =	ssyncset.done $0x0  }
0x9f: {  	s23 =	sadd.s32 $0xF00, s23;
	[sflag:s13] =	ssyncadd.s32 $0xFFFFD800  }
0xa0: {  	[tilespmem:s29], [sflag:$0x3] =	stream.linear.gather [hbm4b:s25+s3], $0x2800, $0x38;
	[tilespmem:$0x1F080] =	vst v63  }
0xa1: {  	_ =	swait.ge [sflag:s4], $0x2800  }
0xa2: {  	[sflag:s4] =	ssyncset.done $0x0  }
0xa3: {  	s22 =	simm.s32 $0x3C00;
	[sflag:s4] =	ssyncadd.s32 $0xFFFFD800  }
0xa4: {  	[spmem:s1] =	stream.indirect.scatter.add.f32 [tilespmem:s30], [sflag:$0x4], $0x80, s22, s8, $0xb8;
	[tilespmem:$0x1F080] =	vst v63  }
0xa5: {  	_ =	swait.ge [sflag:s9], $0x2800  }
0xa6: {  	[sflag:s9] =	ssyncset.done $0x0  }
0xa7: {  	s28 =	simm.s32 $0x3C80;
	[sflag:s9] =	ssyncadd.s32 $0xFFFFD800  }
0xa8: {  	[spmem:s1] =	stream.indirect.scatter.add.f32 [tilespmem:s31], [sflag:$0x5], $0x80, s28, s8, $0xb8;
	[tilespmem:$0x1F080] =	vst v63  }
0xa9: {  	_ =	swait.ge [sflag:s10], $0x2800  }
0xaa: {  	[sflag:s10] =	ssyncset.done $0x0  }
0xab: {  	s23 =	simm.s32 $0x3D00;
	[sflag:s10] =	ssyncadd.s32 $0xFFFFD800  }
0xac: {  	[spmem:s1] =	stream.indirect.scatter.add.f32 [tilespmem:s29], [sflag:$0x6], $0x80, s23, s8, $0xb8;
	[tilespmem:$0x1F080] =	vst v63  }
0xad: {  	_ =	swait.ge [sflag:s11], $0x2800  }
0xae: {  	[sflag:s11] =	ssyncset.done $0x0  }
0xaf: {  	s25 =	rddreg [dreg:$0x11];
	[sflag:s11] =	ssyncadd.s32 $0xFFFFD800  }
0xb0: {  	[tilespmem:s30], [sflag:$0x1] =	stream.linear.gather [hbm4b:s25+s3], $0x2800, $0x38;
	[tilespmem:$0x1F080] =	vst v63  }
0xb1: {  	_ =	swait.ge [sflag:s12], $0x2800  }
0xb2: {  	[sflag:s12] =	ssyncset.done $0x0  }
0xb3: {  	s26 =	rddreg [dreg:$0x12];
	[sflag:s12] =	ssyncadd.s32 $0xFFFFD800  }
0xb4: {  	[tilespmem:s31], [sflag:$0x2] =	stream.linear.gather [hbm4b:s26+s3], $0x2800, $0x38;
	[tilespmem:$0x1F080] =	vst v63  }
0xb5: {  	_ =	swait.ge [sflag:s13], $0x2800  }
0xb6: {  	[sflag:s13] =	ssyncset.done $0x0  }
0xb7: {  	[sflag:s13] =	ssyncadd.s32 $0xFFFFD800  }
0xb8: {  	_ =	swait.ge [sflag:s4], $0x2800  }
0xb9: {  	[sflag:s4] =	ssyncset.done $0x0  }
0xba: {  	s28 =	simm.s32 $0x3D80;
	[sflag:s4] =	ssyncadd.s32 $0xFFFFD800  }
0xbb: {  	[spmem:s1] =	stream.indirect.scatter.add.f32 [tilespmem:s30], [sflag:$0x9], $0x80, s28, s8, $0xb8;
	[tilespmem:$0x1F080] =	vst v63  }
0xbc: {  	_ =	swait.ge [sflag:s14], $0x2800  }
0xbd: {  	[sflag:s14] =	ssyncset.done $0x0  }
0xbe: {  	[sflag:s14] =	ssyncadd.s32 $0xFFFFD800  }
0xbf: {  	_ =	swait.ge [sflag:s9], $0x2800  }
0xc0: {  	[sflag:s9] =	ssyncset.done $0x0  }
0xc1: {  	s23 =	simm.s32 $0x3E00;
	[sflag:s9] =	ssyncadd.s32 $0xFFFFD800  }
0xc2: {  	[spmem:s1] =	stream.indirect.scatter.add.f32 [tilespmem:s31], [sflag:$0x9], $0x80, s23, s8, $0xb8;
	[tilespmem:$0x1F080] =	vst v63  }
0xc3: {  	_ =	swait.ge [sflag:s14], $0x2800  }
0xc4: {  	[sflag:s14] =	ssyncset.done $0x0  }
0xc5: {  	s25 =	stileid.u32;
	[sflag:s14] =	ssyncadd.s32 $0xFFFFD800  }
0xc6: {  	s22 =	sshll.u32 s25, $0x6;
	[bflag:$0x0] =	sbarrier.arrive $0xFFFF  }
0xc7: {  	s22 =	sor.u32 $0x1C07, s22;
	s23 =	sshrl.u32 s5, $0x3;
	s26 =	rddreg [dreg:$0x6]  }
0xc8: {  	[hbm:s26], [sflag:s22] =	dma.local [spmem:s23], $0x500  }
0xc9: {  	s28 =	sshrl.u32 s6, $0x3;
	s25 =	rddreg [dreg:$0x7]  }
0xca: {  	[hbm:s25], [sflag:s22] =	dma.local [spmem:s28], $0x500  }
0xcb: {  	s26 =	sshrl.u32 s7, $0x3;
	s25 =	rddreg [dreg:$0x8]  }
0xcc: {  	[hbm:s25], [sflag:s22] =	dma.local [spmem:s26], $0x500  }
0xcd: {  	s28 =	sshrl.u32 s16, $0x3;
	s25 =	rddreg [dreg:$0x9]  }
0xce: {  	[hbm:s25], [sflag:s22] =	dma.local [spmem:s28], $0x500  }
0xcf: {  	s26 =	sshrl.u32 s17, $0x3;
	s25 =	rddreg [dreg:$0xa]  }
0xd0: {  	[hbm:s25], [sflag:s22] =	dma.local [spmem:s26], $0x500  }
0xd1: {  	s28 =	sshrl.u32 s19, $0x3;
	s25 =	rddreg [dreg:$0xb]  }
0xd2: {  	[hbm:s25], [sflag:s22] =	dma.local [spmem:s28], $0x500  }
0xd3: {  	s26 =	sshrl.u32 s20, $0x3;
	s25 =	rddreg [dreg:$0xc]  }
0xd4: {  	[hbm:s25], [sflag:s22] =	dma.local [spmem:s26], $0x500  }
0xd5: {  	s23 =	sshrl.u32 @!p0 s21, $0x3;
	s25 =	rddreg [dreg:$0xd]  }
0xd6: {  	[hbm:s25], [sflag:s22] =	dma.local @!p0 [spmem:s23], $0x500  }
0xd7: {  	_ =	swait.ge [sflag:s0], $0x500  }
0xd8: {  	[sflag:s0] =	ssyncset.done $0x0  }
0xd9: {  	[sflag:s0] =	ssyncadd.s32 $0xFFFFFB00  }
0xda: {  	_ =	swait.ge [sflag:s0], $0x500  }
0xdb: {  	[sflag:s0] =	ssyncset.done $0x0  }
0xdc: {  	[sflag:s0] =	ssyncadd.s32 $0xFFFFFB00  }
0xdd: {  	_ =	swait.ge [sflag:s0], $0x500  }
0xde: {  	[sflag:s0] =	ssyncset.done $0x0  }
0xdf: {  	[sflag:s0] =	ssyncadd.s32 $0xFFFFFB00  }
0xe0: {  	_ =	swait.ge [sflag:s0], $0x500  }
0xe1: {  	[sflag:s0] =	ssyncset.done $0x0  }
0xe2: {  	[sflag:s0] =	ssyncadd.s32 $0xFFFFFB00  }
0xe3: {  	_ =	swait.ge [sflag:s0], $0x500  }
0xe4: {  	[sflag:s0] =	ssyncset.done $0x0  }
0xe5: {  	[sflag:s0] =	ssyncadd.s32 $0xFFFFFB00  }
0xe6: {  	_ =	swait.ge [sflag:s0], $0x500  }
0xe7: {  	[sflag:s0] =	ssyncset.done $0x0  }
0xe8: {  	[sflag:s0] =	ssyncadd.s32 $0xFFFFFB00  }
0xe9: {  	_ =	swait.ge [sflag:s0], $0x500  }
0xea: {  	[sflag:s0] =	ssyncset.done $0x0  }
0xeb: {  	s22 =	simm.s32 @!p0 $0x7;
	[sflag:s0] =	ssyncadd.s32 $0xFFFFFB00  }
0xec: {  	_ =	swait.ge @!p0 [sflag:s22], $0x500  }
0xed: {  	s15 =	sadd.s32 $0x1, s15;
	s28 =	rddreg [dreg:$0x10]  }
0xee: {  	p1 =	sne.s32 s15, s28  }
.Ltmp2:
0xef: {  	_ = 	snop;
	(pc) =	sbr.rel @p1 .LBB2_1-.Ltmp2, $3  }
0xf0: {  	_ =	sdelay $0x1  }
0xf1: {  	[sflag:s22] =	ssyncset.done @!p0 $0x0  }
0xf2: {  	[sflag:s22] =	ssyncadd.s32 @!p0 $0xFFFFFB00  }
0xf3: {  	_ =	sfence.sel $0x180000  }
0xf4: {  	[bflag:$0x0] =	sbarrier.arrive $0xFFFF  }
0xf5: {  	_ =	strace $0x90000047  }
0xf6: {  	s0 =	stileid.u32;
	[bflag:$0x2] =	sbarrier.arrive $0xFFFF  }
0xf7: {  	p0 =	sne.s32 s0, $0x0;
	s0 =	rddreg [dreg:$0x4]  }
0xf8: {  	s0 =	sadd.s32 @!p0 $0x100000, s0  }
0xf9: {  	[sflag:s0] =	ssyncadd.tile.s32 @!p0 $0x1;
	_ =	shalt  }
.Lfunc_end2:
_tile_overlayer_lowered:
.L_overlay_start_2:
0xfa: {  	(tag) =	ssettag $0x2  }
0xfb: {  	s0 =	rddreg [dreg:$0x0];
	s2 =	stileid.u32  }
0xfc: {  	s1 =	rddreg [dreg:$0x1];
	p0 =	sne.s32 s2, $0x0  }
0xfd: {  	s3 =	rddreg [dreg:$0x2];
	[bflag:$0x3] =	sbarrier.arrive $0xFFFF;
	s2 =	simm.s32 @!p0 $0x1C09  }
0xfe: {  	[timem:s3], [sflag:s2] =	dma.local @!p0 [hbm:s0], s1  }
0xff: {  	s0 =	simm.s32 @!p0 $0x9  }
0x100: {  	_ =	swait.ge @!p0 [sflag:s0], s1  }
0x101: {  	s1 =	ssub.s32 @!p0 $0x0, s1;
	[sflag:s0] =	ssyncset.done @!p0 $0x0  }
0x102: {  	[sflag:s0] =	ssyncadd.s32 @!p0 s1  }
0x103: {  	[bflag:$0x3] =	sbarrier.arrive $0xFFFF  }
0x104: {  	_ =	shalt  }

</sc_bundles>
